<compile_context>
chip_gen: v7x
topology: tpu7x:2x2x1
jax: 0.10.2.dev20260603
libtpu: 0.0.44.dev20260713+nightly
codegen_flags: <defaults>
</compile_context>

<pallas_src>
import functools

import jax
import jax.numpy as jnp
from jax import lax
from jax.experimental import pallas as pl
from jax.experimental.pallas import tpu as pltpu
from jax.experimental.pallas import tpu_sc as plsc

N = 10000
E = 320000
F_IN = 128
H = 64
C3 = 3 * N
NC = 2
NS = 16
PAD3 = 30720
HALF = PAD3 // 2
PADE = 327680 - E
EP = E + PADE
CH = 128
NCHUNK = EP // CH
CPW2 = NCHUNK // NS
ZRH = HALF // NS
ZCH = 120
SENT = 2**31 - 1

_NEG_Q = 0.1
_POS_Q = 0.9



def _thresh_body(pred_ref, src_ref, dst_ref, ks0_ref, ks1_ref, kd0_ref,
                 kd1_ref):
    p = pred_ref[...]
    b = lax.bitcast_convert_type(p, jnp.uint32)
    top = jnp.uint32(0x80000000)
    ful = jnp.uint32(0xFFFFFFFF)
    key = jnp.where(b >= top, ful - b, b + top)

    sel_neg = p <= 0.0
    m_neg = jnp.sum(sel_neg.astype(jnp.int32))
    m_pos = jnp.int32(E) - m_neg

    def ranks(m_i, q):
        m_f = m_i.astype(jnp.float32)
        idx = q * (m_f - 1.0)
        lo_f = jnp.floor(idx)
        hw = idx - lo_f
        t_lo = jnp.clip(lo_f, 0.0, m_f - 1.0).astype(jnp.int32)
        t_hi = jnp.clip(jnp.ceil(idx), 0.0, m_f - 1.0).astype(jnp.int32)
        return t_lo, t_hi, hw

    tn_lo, tn_hi, hw_n = ranks(m_neg, _NEG_Q)
    tp_lo, tp_hi, hw_p = ranks(m_pos, _POS_Q)

    zero = jnp.uint32(0)
    targets = (tn_lo, tn_hi, tp_lo + m_neg, tp_hi + m_neg)

    def bs_body(_, st):
        los, his = st
        new_los, new_his = [], []
        for j in range(4):
            lo, hi = los[j], his[j]
            mid = lo + (hi - lo) // jnp.uint32(2)
            cnt = jnp.sum((key <= mid).astype(jnp.int32))
            good = cnt >= targets[j] + 1
            new_los.append(jnp.where(good, lo, mid + jnp.uint32(1)))
            new_his.append(jnp.where(good, mid, hi))
        return tuple(new_los), tuple(new_his)

    init = ((zero, zero, zero, zero), (ful, ful, ful, ful))
    (los, _) = lax.fori_loop(0, 32, bs_body, init)

    def unkey(k):
        bb = jnp.where(k >= top, k - top, ful - k)
        return lax.bitcast_convert_type(bb, jnp.float32)

    vn_lo, vn_hi, vp_lo, vp_hi = (unkey(k) for k in los)
    neg_thr = jnp.where(m_neg > 0, vn_lo * (1.0 - hw_n) + vn_hi * hw_n, 0.0)
    pos_thr = jnp.where(m_pos > 0, vp_lo * (1.0 - hw_p) + vp_hi * hw_p, 0.0)

    cls = jnp.where(p > pos_thr, 0, jnp.where(p < neg_thr, 2, 1)).astype(jnp.int32)
    ks = cls * N + src_ref[...]
    kd = cls * N + dst_ref[...]
    in0 = kd < HALF
    ks0_ref[...] = jnp.where(in0, ks, SENT)
    ks1_ref[...] = jnp.where(in0, SENT, ks)
    kd0_ref[...] = jnp.where(in0, kd, SENT)
    kd1_ref[...] = jnp.where(in0, SENT, kd - HALF)


def _thresh(pred2, src2, dst2):
    return pl.pallas_call(
        _thresh_body,
        out_shape=[jax.ShapeDtypeStruct((2500, 128), jnp.int32)] * 4,
    )(pred2, src2, dst2)



def _mlp_body(x_ref, w1_ref, b1_ref, w2_ref, b2_ref, h_ref):
    h1 = jnp.maximum(
        jnp.dot(x_ref[...], w1_ref[...], preferred_element_type=jnp.float32)
        + b1_ref[...], 0.0)
    h_ref[...] = jnp.maximum(
        jnp.dot(h1, w2_ref[...], preferred_element_type=jnp.float32)
        + b2_ref[...], 0.0)


def _mlp(feat, W1, b1r, W2, b2r):
    return pl.pallas_call(
        _mlp_body,
        grid=(10,),
        in_specs=[
            pl.BlockSpec((1000, F_IN), lambda i: (i, 0)),
            pl.BlockSpec((F_IN, H), lambda i: (0, 0)),
            pl.BlockSpec((1, H), lambda i: (0, 0)),
            pl.BlockSpec((H, H), lambda i: (0, 0)),
            pl.BlockSpec((1, H), lambda i: (0, 0)),
        ],
        out_specs=pl.BlockSpec((1000, H), lambda i: (i, 0)),
        out_shape=jax.ShapeDtypeStruct((N, H), jnp.float32),
    )(feat, W1, b1r, W2, b2r)



@functools.cache
def _sc_kernels():
    mesh = plsc.VectorSubcoreMesh(core_axis_name="c", subcore_axis_name="s")

    @functools.partial(
        pl.kernel,
        out_type=jax.ShapeDtypeStruct((PAD3,), jnp.float32),
        mesh=mesh,
        compiler_params=pltpu.CompilerParams(use_tc_tiling_on_sc=False),
        scratch_types=[
            pltpu.VMEM((CPW2, CH), jnp.int32),
            pltpu.VMEM((CH,), jnp.float32),
            pltpu.VMEM((ZRH,), jnp.float32),
            pltpu.VMEM_SHARED((HALF,), jnp.float32),
        ],
    )
    def _deg_sc(kd0_hbm, kd1_hbm, out_hbm, di2_v, ones_v, zer_v, acc_sh):
        c = lax.axis_index("c")
        s = lax.axis_index("s")

        def fill(ref, n, val):
            def fb(i, _):
                ref[pl.ds(i * 16, 16)] = jnp.full((16,), val, jnp.float32)
                return 0
            lax.fori_loop(0, n // 16, fb, 0)

        fill(ones_v, CH, 1.0)
        fill(zer_v, ZRH, 0.0)

        @pl.when(c == 0)
        def _():
            pltpu.sync_copy(kd0_hbm.at[pl.ds(s * CPW2, CPW2)], di2_v)

        @pl.when(c == 1)
        def _():
            pltpu.sync_copy(kd1_hbm.at[pl.ds(s * CPW2, CPW2)], di2_v)

        pltpu.sync_copy(zer_v, acc_sh.at[pl.ds(s * ZRH, ZRH)])
        plsc.subcore_barrier()

        def body(i, _):
            pltpu.sync_copy(
                ones_v,
                acc_sh.at[plsc.Indices(di2_v.at[i], ignored_value=SENT)],
                add=True)
            return 0

        lax.fori_loop(0, CPW2, body, 0)
        plsc.subcore_barrier()
        pltpu.sync_copy(acc_sh.at[pl.ds(s * ZRH, ZRH)],
                        out_hbm.at[pl.ds(c * HALF + s * ZRH, ZRH)])

    @functools.partial(
        pl.kernel,
        out_type=jax.ShapeDtypeStruct((PAD3, H), jnp.float32),
        mesh=mesh,
        compiler_params=pltpu.CompilerParams(use_tc_tiling_on_sc=False),
        scratch_types=[
            pltpu.VMEM((CPW2, CH), jnp.int32),
            pltpu.VMEM((CPW2, CH), jnp.int32),
            pltpu.VMEM((CH, H), jnp.float32),
            pltpu.VMEM((CH, H), jnp.float32),
            pltpu.VMEM((ZCH, H), jnp.float32),
            pltpu.VMEM_SHARED((HALF, H), jnp.float32),
            pltpu.SemaphoreType.DMA,
            pltpu.SemaphoreType.DMA,
        ],
    )
    def _hop_sc(gtab_hbm, ks0_hbm, ks1_hbm, kd0_hbm, kd1_hbm, out_hbm,
                si2_v, di2_v, rows0_v, rows1_v, zer_v, acc_sh, sem0, sem1):
        c = lax.axis_index("c")
        s = lax.axis_index("s")
        nz = H // 16

        def zb(i, _):
            zer_v[i // nz, pl.ds((i % nz) * 16, 16)] = jnp.zeros(
                (16,), jnp.float32)
            return 0

        lax.fori_loop(0, ZCH * nz, zb, 0)

        @pl.when(c == 0)
        def _():
            pltpu.sync_copy(ks0_hbm.at[pl.ds(s * CPW2, CPW2)], si2_v)
            pltpu.sync_copy(kd0_hbm.at[pl.ds(s * CPW2, CPW2)], di2_v)

        @pl.when(c == 1)
        def _():
            pltpu.sync_copy(ks1_hbm.at[pl.ds(s * CPW2, CPW2)], si2_v)
            pltpu.sync_copy(kd1_hbm.at[pl.ds(s * CPW2, CPW2)], di2_v)

        def zc(j, _):
            pltpu.sync_copy(zer_v, acc_sh.at[pl.ds(s * ZRH + j * ZCH, ZCH)])
            return 0

        lax.fori_loop(0, ZRH // ZCH, zc, 0)
        plsc.subcore_barrier()

        def gath(i, rows_v, sem):
            pltpu.async_copy(
                gtab_hbm.at[plsc.Indices(si2_v.at[i], ignored_value=SENT)],
                rows_v, sem)

        def wait_rows(rows_v, sem):
            pltpu.make_async_copy(
                gtab_hbm.at[plsc.Indices(si2_v.at[0], ignored_value=SENT)],
                rows_v, sem).wait()

        def scat(rows_v, i):
            pltpu.sync_copy(
                rows_v,
                acc_sh.at[plsc.Indices(di2_v.at[i], ignored_value=SENT)],
                add=True)

        gath(0, rows0_v, sem0)

        def body(j, _):
            i0 = 2 * j
            i1 = i0 + 1
            gath(i1, rows1_v, sem1)
            wait_rows(rows0_v, sem0)
            scat(rows0_v, i0)
            inext = jnp.minimum(i1 + 1, CPW2 - 1)
            gath(inext, rows0_v, sem0)
            wait_rows(rows1_v, sem1)
            scat(rows1_v, i1)
            return 0

        lax.fori_loop(0, CPW2 // 2, body, 0)
        wait_rows(rows0_v, sem0)
        plsc.subcore_barrier()
        pltpu.sync_copy(acc_sh.at[pl.ds(s * ZRH, ZRH)],
                        out_hbm.at[pl.ds(c * HALF + s * ZRH, ZRH)])

    return _deg_sc, _hop_sc



def _build_body(degp_ref, h_ref, dinv_ref, g1_ref):
    dinv = lax.rsqrt(jnp.maximum(degp_ref[...], 1.0))
    g1 = h_ref[...] * dinv
    dinv_ref[...] = jnp.broadcast_to(dinv, (1000, H))
    g1_ref[...] = g1


def _build(degp, h):
    return pl.pallas_call(
        _build_body,
        grid=(3, 10),
        in_specs=[
            pl.BlockSpec((1000, 1), lambda c, i: (c * 10 + i, 0)),
            pl.BlockSpec((1000, H), lambda c, i: (i, 0)),
        ],
        out_specs=[
            pl.BlockSpec((1000, H), lambda c, i: (c * 10 + i, 0)),
            pl.BlockSpec((1000, H), lambda c, i: (c * 10 + i, 0)),
        ],
        out_shape=[
            jax.ShapeDtypeStruct((C3, H), jnp.float32),
            jax.ShapeDtypeStruct((PAD3, H), jnp.float32),
        ],
    )(degp, h)



def _comb1_body(a1_ref, h_ref, dinv_ref, f1_ref, g2_ref):
    dinv = dinv_ref[...]
    f1 = h_ref[...] - a1_ref[...] * dinv
    f1_ref[...] = f1
    g2_ref[...] = f1 * dinv


def _comb1(a1, h, dinv):
    return pl.pallas_call(
        _comb1_body,
        grid=(3, 10),
        in_specs=[
            pl.BlockSpec((1000, H), lambda c, i: (c * 10 + i, 0)),
            pl.BlockSpec((1000, H), lambda c, i: (i, 0)),
            pl.BlockSpec((1000, H), lambda c, i: (c * 10 + i, 0)),
        ],
        out_specs=[
            pl.BlockSpec((1000, H), lambda c, i: (c * 10 + i, 0)),
            pl.BlockSpec((1000, H), lambda c, i: (c * 10 + i, 0)),
        ],
        out_shape=[
            jax.ShapeDtypeStruct((C3, H), jnp.float32),
            jax.ShapeDtypeStruct((PAD3, H), jnp.float32),
        ],
    )(a1, h, dinv)



_TH0 = (0.0, 0.0, 3.0)
_TH1 = (0.0, 3.0, -3.0)
_TH2 = (0.75, -1.5, 0.75)


def _final_body(h_ref, f1a_ref, f1b_ref, f1c_ref, a2a_ref, a2b_ref, a2c_ref,
                dva_ref, dvb_ref, dvc_ref, w3_ref, b3_ref, out_ref):
    h = h_ref[...]
    acc = jnp.broadcast_to(b3_ref[...], (1000, H))
    for cc, (f1_ref, a2_ref, dv_ref) in enumerate(
        ((f1a_ref, a2a_ref, dva_ref),
         (f1b_ref, a2b_ref, dvb_ref),
         (f1c_ref, a2c_ref, dvc_ref))
    ):
        f1 = f1_ref[...]
        f2 = f1 - a2_ref[...] * dv_ref[...]
        part = _TH0[cc] * h + _TH1[cc] * f1 + _TH2[cc] * f2
        acc = acc + jnp.dot(part, w3_ref[cc],
                            preferred_element_type=jnp.float32)
    out_ref[...] = jnp.maximum(acc, 0.0)


def _final(h, f1, a2, dinv, W3r, b3r):
    f1_spec = lambda c: pl.BlockSpec((1000, H), lambda i, c=c: (c * 10 + i, 0))
    dv_spec = lambda c: pl.BlockSpec((1000, H), lambda i, c=c: (c * 10 + i, 0))
    return pl.pallas_call(
        _final_body,
        grid=(10,),
        in_specs=[
            pl.BlockSpec((1000, H), lambda i: (i, 0)),
            f1_spec(0), f1_spec(1), f1_spec(2),
            f1_spec(0), f1_spec(1), f1_spec(2),
            dv_spec(0), dv_spec(1), dv_spec(2),
            pl.BlockSpec((3, H, H), lambda i: (0, 0, 0)),
            pl.BlockSpec((1, H), lambda i: (0, 0)),
        ],
        out_specs=pl.BlockSpec((1000, H), lambda i: (i, 0)),
        out_shape=jax.ShapeDtypeStruct((N, H), jnp.float32),
    )(h, f1, f1, f1, a2, a2, a2, dinv, dinv, dinv, W3r, b3r)



def kernel(feat, edge_index, edge_pred, W1, b1, W2, b2, W3, b3):
    pred2 = edge_pred.reshape(2500, 128)
    src2 = edge_index[0].reshape(2500, 128)
    dst2 = edge_index[1].reshape(2500, 128)
    ks02, ks12, kd02, kd12 = _thresh(pred2, src2, dst2)
    pads = jnp.full((PADE,), SENT, jnp.int32)
    ks0 = jnp.concatenate([ks02.reshape(E), pads]).reshape(NCHUNK, CH)
    ks1 = jnp.concatenate([ks12.reshape(E), pads]).reshape(NCHUNK, CH)
    kd0 = jnp.concatenate([kd02.reshape(E), pads]).reshape(NCHUNK, CH)
    kd1 = jnp.concatenate([kd12.reshape(E), pads]).reshape(NCHUNK, CH)

    h = _mlp(feat, W1, b1.reshape(1, H), W2, b2.reshape(1, H))

    _deg_sc, _hop_sc = _sc_kernels()
    degp = _deg_sc(kd0, kd1)[:, None]
    dinv, G1 = _build(degp, h)
    A1 = _hop_sc(G1, ks0, ks1, kd0, kd1)
    f1, G2 = _comb1(A1, h, dinv)
    A2 = _hop_sc(G2, ks0, ks1, kd0, kd1)
    W3r = W3.reshape(3, H, H)
    return _final(h, f1, A2, dinv, W3r, b3.reshape(1, H))

# --- scband reference (transcript-rebuilt; emitter-appended) ---
"""Pipeline reference for scband-graph-partition-module-36636071035261 (READ-ONLY COPY).

The authoritative reference and input builder live on the scoring server;
editing this copy changes nothing except your own understanding.
"""

import jax, jax.numpy as jnp
import numpy as np

N = 10000
E = 320000
IN_FEATS = 128
H_FEATS = 64
POS_Q = 0.9
NEG_Q = 0.1
# calculate_theta2(d=2) evaluated analytically (Bernstein basis / Beta normalization):
THETAS = [[3.0, -3.0, 0.75], [0.0, 3.0, -1.5], [0.0, 0.0, 0.75]]


def setup_inputs(seed: int = 0) -> dict:
    key = jax.random.key(seed)
    ks = jax.random.split(key, 10)
    feat = jax.random.normal(ks[0], (N, IN_FEATS), dtype=jnp.float32)
    edge_index = jax.random.randint(ks[1], (2, E), 0, N)
    edge_pred = jax.random.normal(ks[2], (E,), dtype=jnp.float32)
    W1 = jax.random.normal(ks[3], (IN_FEATS, H_FEATS), dtype=jnp.float32) / np.sqrt(IN_FEATS)
    b1 = jnp.zeros((H_FEATS,), dtype=jnp.float32)
    W2 = jax.random.normal(ks[4], (H_FEATS, H_FEATS), dtype=jnp.float32) / np.sqrt(H_FEATS)
    b2 = jnp.zeros((H_FEATS,), dtype=jnp.float32)
    W3 = jax.random.normal(ks[5], (3 * H_FEATS, H_FEATS), dtype=jnp.float32) / np.sqrt(3 * H_FEATS)
    b3 = jnp.zeros((H_FEATS,), dtype=jnp.float32)
    return {"feat": feat, "edge_index": edge_index, "edge_pred": edge_pred,
            "W1": W1, "b1": b1, "W2": W2, "b2": b2, "W3": W3, "b3": b3}


def _poly_conv(theta, mask, src, dst, feat):
    # PolyConv with lin=False: h = sum_k theta[k] * L_unn^k(feat) on the masked edge subgraph
    maskf = mask.astype(feat.dtype)
    deg = jax.ops.segment_sum(maskf, dst, num_segments=N)  # in-degrees of edge_subgraph
    d_invsqrt = jnp.power(jnp.clip(deg, 1.0, None), -0.5)[:, None]
    h = theta[0] * feat
    f = feat
    for k in range(1, len(theta)):
        msg = (f * d_invsqrt)[src] * maskf[:, None]  # copy_u then sum at dst
        agg = jax.ops.segment_sum(msg, dst, num_segments=N)
        f = f - agg * d_invsqrt
        h = h + theta[k] * f
    return h


def reference(feat, edge_index, edge_pred, W1, b1, W2, b2, W3, b3):
    src = edge_index[0]
    dst = edge_index[1]
    # single etype graph; dropout is identity in eval mode
    neg_sel = edge_pred <= 0
    pos_sel = edge_pred > 0
    neg_thr = jnp.where(
        jnp.any(neg_sel),
        jnp.nanquantile(jnp.where(neg_sel, edge_pred, jnp.nan), NEG_Q),
        jnp.float32(0.0),
    )
    pos_thr = jnp.where(
        jnp.any(pos_sel),
        jnp.nanquantile(jnp.where(pos_sel, edge_pred, jnp.nan), POS_Q),
        jnp.float32(0.0),
    )
    mask_neg = edge_pred < neg_thr
    mask_pos = edge_pred > pos_thr
    mask_unk = (edge_pred <= pos_thr) & (edge_pred >= neg_thr)
    h = jax.nn.relu(feat @ W1 + b1)
    h = jax.nn.relu(h @ W2 + b2)
    h_pos = _poly_conv(THETAS[-1], mask_pos, src, dst, h)
    h_neg = _poly_conv(THETAS[0], mask_neg, src, dst, h)
    outs = [_poly_conv(THETAS[i], mask_unk, src, dst, h) for i in range(1, len(THETAS) - 1)]
    h_unknown = jnp.concatenate(outs, axis=-1)
    h_final = jnp.concatenate([h_pos, h_unknown, h_neg], axis=-1)
    out = jax.nn.relu(h_final @ W3 + b3)
    # stack over etypes then sum(0): single etype -> identity
    return out

if __name__ == "__main__":
    import jax
    _d = setup_inputs()
    print(jax.jit(kernel)(*tuple(_d.values())))

</pallas_src>

<mosaic_0001>
#map = affine_map<(d0, d1) -> (0, 0)>
module attributes {stable_mosaic.version = 14 : i64} {
  func.func @_hop_sc(%arg0: i32, %arg1: i32, %arg2: memref<30720x64xf32, #tpu.memory_space<hbm>>, %arg3: memref<2560x128xi32, #tpu.memory_space<hbm>>, %arg4: memref<2560x128xi32, #tpu.memory_space<hbm>>, %arg5: memref<2560x128xi32, #tpu.memory_space<hbm>>, %arg6: memref<2560x128xi32, #tpu.memory_space<hbm>>, %arg7: memref<30720x64xf32, #tpu.memory_space<hbm>>, %arg8: memref<160x128xi32, #tpu.memory_space<vmem>>, %arg9: memref<160x128xi32, #tpu.memory_space<vmem>>, %arg10: memref<128x64xf32, #tpu.memory_space<vmem>>, %arg11: memref<128x64xf32, #tpu.memory_space<vmem>>, %arg12: memref<120x64xf32, #tpu.memory_space<vmem>>, %arg13: memref<15360x64xf32, #tpu.memory_space<vmem_shared>>, %arg14: memref<!tpu.dma_semaphore, #tpu.memory_space<semaphore_mem>>, %arg15: memref<!tpu.dma_semaphore, #tpu.memory_space<semaphore_mem>>) attributes {dimension_semantics = [#tpu.dimension_semantics<core_parallel>, #tpu.dimension_semantics<subcore_parallel>], iteration_bounds = array<i64: 2, 16>, scalar_prefetch = 0 : i64, scratch_operands = 8 : i64, tpu.core_type = #tpu.core_type<sc_vector_subcore>, window_params = [{transform_indices = #map}, {transform_indices = #map}, {transform_indices = #map}, {transform_indices = #map}, {transform_indices = #map}, {transform_indices = #map}]} {
    %scan3A = arith.constant 0 : i32
    %scan3A_0 = arith.constant 0 : i32
    %scan3A_1 = arith.constant 480 : i32
    %scan3A_2 = arith.addi %scan3A_0, %scan3A_1 : i32
    %scan3A_3 = arith.constant 1 : i32
    %scan3A_4 = scf.for %scan3A_46 = %scan3A_0 to %scan3A_2 step %scan3A_3 iter_args(%scan3A_47 = %scan3A) -> (i32)  : i32 {
      %broadcast_in_dim3A = arith.constant 0.000000e+00 : f32
      %broadcast_in_dim3A_48 = vector.broadcast %broadcast_in_dim3A : f32 to vector<16xf32>
      %jit3A = arith.constant 4 : i32
      %div3A = arith.divsi %scan3A_46, %jit3A : i32
      %sign3A = arith.constant 0 : i32
      %sign3A_49 = arith.cmpi sgt, %scan3A_46, %sign3A : i32
      %sign3A_50 = arith.extui %sign3A_49 : i1 to i32
      %sign3A_51 = arith.constant 0 : i32
      %sign3A_52 = arith.cmpi slt, %scan3A_46, %sign3A_51 : i32
      %sign3A_53 = arith.extui %sign3A_52 : i1 to i32
      %sign3A_54 = arith.subi %sign3A_50, %sign3A_53 : i32
      %sign3A_55 = arith.constant 0 : i32
      %sign3A_56 = arith.cmpi sgt, %jit3A, %sign3A_55 : i32
      %sign3A_57 = arith.extui %sign3A_56 : i1 to i32
      %sign3A_58 = arith.constant 0 : i32
      %sign3A_59 = arith.cmpi slt, %jit3A, %sign3A_58 : i32
      %sign3A_60 = arith.extui %sign3A_59 : i1 to i32
      %sign3A_61 = arith.subi %sign3A_57, %sign3A_60 : i32
      %ne3A = arith.cmpi ne, %sign3A_54, %sign3A_61 : i32
      %rem3A = arith.remsi %scan3A_46, %jit3A : i32
      %ne3A_62 = arith.constant 0 : i32
      %ne3A_63 = arith.cmpi ne, %rem3A, %ne3A_62 : i32
      %and3A = arith.andi %ne3A, %ne3A_63 : i1
      %sub3A = arith.constant 1 : i32
      %sub3A_64 = arith.subi %div3A, %sub3A : i32
      %select_n3A = arith.select %and3A, %sub3A_64, %div3A : i32
      %jit3A_65 = arith.constant 4 : i32
      %eq3A_66 = arith.constant 0 : i32
      %eq3A_67 = arith.cmpi eq, %jit3A_65, %eq3A_66 : i32
      %jit3A_68 = arith.constant 1 : i32
      %select_n3A_69 = arith.select %eq3A_67, %jit3A_68, %jit3A_65 : i32
      %rem3A_70 = arith.remsi %scan3A_46, %select_n3A_69 : i32
      %ne3A_71 = arith.constant 0 : i32
      %ne3A_72 = arith.cmpi ne, %rem3A_70, %ne3A_71 : i32
      %lt3A = arith.constant 0 : i32
      %lt3A_73 = arith.cmpi slt, %rem3A_70, %lt3A : i32
      %lt3A_74 = arith.constant 0 : i32
      %lt3A_75 = arith.cmpi slt, %select_n3A_69, %lt3A_74 : i32
      %ne3A_76 = arith.xori %lt3A_73, %lt3A_75 : i1
      %and3A_77 = arith.andi %ne3A_76, %ne3A_72 : i1
      %add3A_78 = arith.addi %rem3A_70, %select_n3A_69 : i32
      %select_n3A_79 = arith.select %and3A_77, %add3A_78, %rem3A_70 : i32
      %mul3A_80 = arith.constant 16 : i32
      %mul3A_81 = arith.muli %select_n3A_79, %mul3A_80 : i32
      %swap3A = arith.index_cast %select_n3A : i32 to index
      %swap3A_82 = arith.index_cast %mul3A_81 : i32 to index
      %swap3A_83 = tpu.vector_load %arg12[%swap3A, %swap3A_82] {strides = array<i32>} : memref<120x64xf32, #tpu.memory_space<vmem>>, vector<1x16xf32>,
      %swap3A_84 = vector.shape_cast %swap3A_83 : vector<1x16xf32> to vector<16xf32>
      %swap3A_85 = vector.shape_cast %broadcast_in_dim3A_48 : vector<16xf32> to vector<1x16xf32>
      tpu.vector_store %arg12[%swap3A, %swap3A_82], %swap3A_85 {strides = array<i32>} : memref<120x64xf32, #tpu.memory_space<vmem>>, vector<1x16xf32>,
      %scan3A_86 = arith.constant 0 : i32
      scf.yield %scan3A_86 : i32
    }
    %scan3A_5 = arith.constant 480 : i32
    %eq3A = arith.constant 0 : i32
    %eq3A_6 = arith.cmpi eq, %arg0, %eq3A : i32
    %convert_element_type3A = arith.extui %eq3A_6 : i1 to i32
    %cond3A = arith.constant 0 : i32
    %cond3A_7 = arith.cmpi ne, %convert_element_type3A, %cond3A : i32
    scf.if %cond3A_7 {
      %mul3A_46 = arith.constant 160 : i32
      %mul3A_47 = arith.muli %arg1, %mul3A_46 : i32
      "tpu.region"() ({
        %run_scoped3A = tpu.sem_alloc : memref<!tpu.dma_semaphore, #tpu.memory_space<semaphore_mem>>
        %dma_start3A_50 = arith.constant 0 : i32
        %dma_start3A_51 = tpu.memref_slice %arg3[%mul3A_47, %dma_start3A_50] : memref<2560x128xi32, #tpu.memory_space<hbm>> -> memref<160x128xi32, #tpu.memory_space<hbm>>
        %dma_start3A_52 = arith.constant 0 : i32
        %dma_start3A_53 = tpu.memref_slice %arg3[%mul3A_47, %dma_start3A_52] : memref<2560x128xi32, #tpu.memory_space<hbm>> -> memref<160x128xi32, #tpu.memory_space<hbm>>
        tpu.enqueue_dma source(%dma_start3A_53 : memref<160x128xi32, #tpu.memory_space<hbm>>) target(%arg8 : memref<160x128xi32, #tpu.memory_space<vmem>>) target_semaphore(%run_scoped3A : memref<!tpu.dma_semaphore, #tpu.memory_space<semaphore_mem>>)
        %dma_wait3A_54 = arith.constant 0 : i32
        %dma_wait3A_55 = tpu.memref_slice %arg3[%mul3A_47, %dma_wait3A_54] : memref<2560x128xi32, #tpu.memory_space<hbm>> -> memref<160x128xi32, #tpu.memory_space<hbm>>
        %dma_wait3A_56 = arith.constant 0 : i32
        %dma_wait3A_57 = tpu.memref_slice %arg3[%mul3A_47, %dma_wait3A_56] : memref<2560x128xi32, #tpu.memory_space<hbm>> -> memref<160x128xi32, #tpu.memory_space<hbm>>
        tpu.wait_dma2 semaphore(%run_scoped3A : memref<!tpu.dma_semaphore, #tpu.memory_space<semaphore_mem>>) src(%dma_wait3A_57 : memref<160x128xi32, #tpu.memory_space<hbm>>) dst(%arg8 : memref<160x128xi32, #tpu.memory_space<vmem>>)
        tpu.yield
      }) : () -> ()
      %mul3A_48 = arith.constant 160 : i32
      %mul3A_49 = arith.muli %arg1, %mul3A_48 : i32
      "tpu.region"() ({
        %run_scoped3A = tpu.sem_alloc : memref<!tpu.dma_semaphore, #tpu.memory_space<semaphore_mem>>
        %dma_start3A_50 = arith.constant 0 : i32
        %dma_start3A_51 = tpu.memref_slice %arg5[%mul3A_49, %dma_start3A_50] : memref<2560x128xi32, #tpu.memory_space<hbm>> -> memref<160x128xi32, #tpu.memory_space<hbm>>
        %dma_start3A_52 = arith.constant 0 : i32
        %dma_start3A_53 = tpu.memref_slice %arg5[%mul3A_49, %dma_start3A_52] : memref<2560x128xi32, #tpu.memory_space<hbm>> -> memref<160x128xi32, #tpu.memory_space<hbm>>
        tpu.enqueue_dma source(%dma_start3A_53 : memref<160x128xi32, #tpu.memory_space<hbm>>) target(%arg9 : memref<160x128xi32, #tpu.memory_space<vmem>>) target_semaphore(%run_scoped3A : memref<!tpu.dma_semaphore, #tpu.memory_space<semaphore_mem>>)
        %dma_wait3A_54 = arith.constant 0 : i32
        %dma_wait3A_55 = tpu.memref_slice %arg5[%mul3A_49, %dma_wait3A_54] : memref<2560x128xi32, #tpu.memory_space<hbm>> -> memref<160x128xi32, #tpu.memory_space<hbm>>
        %dma_wait3A_56 = arith.constant 0 : i32
        %dma_wait3A_57 = tpu.memref_slice %arg5[%mul3A_49, %dma_wait3A_56] : memref<2560x128xi32, #tpu.memory_space<hbm>> -> memref<160x128xi32, #tpu.memory_space<hbm>>
        tpu.wait_dma2 semaphore(%run_scoped3A : memref<!tpu.dma_semaphore, #tpu.memory_space<semaphore_mem>>) src(%dma_wait3A_57 : memref<160x128xi32, #tpu.memory_space<hbm>>) dst(%arg9 : memref<160x128xi32, #tpu.memory_space<vmem>>)
        tpu.yield
      }) : () -> ()
    } else {
    }
    %eq3A_8 = arith.constant 1 : i32
    %eq3A_9 = arith.cmpi eq, %arg0, %eq3A_8 : i32
    %convert_element_type3A_10 = arith.extui %eq3A_9 : i1 to i32
    %cond3A_11 = arith.constant 0 : i32
    %cond3A_12 = arith.cmpi ne, %convert_element_type3A_10, %cond3A_11 : i32
    scf.if %cond3A_12 {
      %mul3A_46 = arith.constant 160 : i32
      %mul3A_47 = arith.muli %arg1, %mul3A_46 : i32
      "tpu.region"() ({
        %run_scoped3A = tpu.sem_alloc : memref<!tpu.dma_semaphore, #tpu.memory_space<semaphore_mem>>
        %dma_start3A_50 = arith.constant 0 : i32
        %dma_start3A_51 = tpu.memref_slice %arg4[%mul3A_47, %dma_start3A_50] : memref<2560x128xi32, #tpu.memory_space<hbm>> -> memref<160x128xi32, #tpu.memory_space<hbm>>
        %dma_start3A_52 = arith.constant 0 : i32
        %dma_start3A_53 = tpu.memref_slice %arg4[%mul3A_47, %dma_start3A_52] : memref<2560x128xi32, #tpu.memory_space<hbm>> -> memref<160x128xi32, #tpu.memory_space<hbm>>
        tpu.enqueue_dma source(%dma_start3A_53 : memref<160x128xi32, #tpu.memory_space<hbm>>) target(%arg8 : memref<160x128xi32, #tpu.memory_space<vmem>>) target_semaphore(%run_scoped3A : memref<!tpu.dma_semaphore, #tpu.memory_space<semaphore_mem>>)
        %dma_wait3A_54 = arith.constant 0 : i32
        %dma_wait3A_55 = tpu.memref_slice %arg4[%mul3A_47, %dma_wait3A_54] : memref<2560x128xi32, #tpu.memory_space<hbm>> -> memref<160x128xi32, #tpu.memory_space<hbm>>
        %dma_wait3A_56 = arith.constant 0 : i32
        %dma_wait3A_57 = tpu.memref_slice %arg4[%mul3A_47, %dma_wait3A_56] : memref<2560x128xi32, #tpu.memory_space<hbm>> -> memref<160x128xi32, #tpu.memory_space<hbm>>
        tpu.wait_dma2 semaphore(%run_scoped3A : memref<!tpu.dma_semaphore, #tpu.memory_space<semaphore_mem>>) src(%dma_wait3A_57 : memref<160x128xi32, #tpu.memory_space<hbm>>) dst(%arg8 : memref<160x128xi32, #tpu.memory_space<vmem>>)
        tpu.yield
      }) : () -> ()
      %mul3A_48 = arith.constant 160 : i32
      %mul3A_49 = arith.muli %arg1, %mul3A_48 : i32
      "tpu.region"() ({
        %run_scoped3A = tpu.sem_alloc : memref<!tpu.dma_semaphore, #tpu.memory_space<semaphore_mem>>
        %dma_start3A_50 = arith.constant 0 : i32
        %dma_start3A_51 = tpu.memref_slice %arg6[%mul3A_49, %dma_start3A_50] : memref<2560x128xi32, #tpu.memory_space<hbm>> -> memref<160x128xi32, #tpu.memory_space<hbm>>
        %dma_start3A_52 = arith.constant 0 : i32
        %dma_start3A_53 = tpu.memref_slice %arg6[%mul3A_49, %dma_start3A_52] : memref<2560x128xi32, #tpu.memory_space<hbm>> -> memref<160x128xi32, #tpu.memory_space<hbm>>
        tpu.enqueue_dma source(%dma_start3A_53 : memref<160x128xi32, #tpu.memory_space<hbm>>) target(%arg9 : memref<160x128xi32, #tpu.memory_space<vmem>>) target_semaphore(%run_scoped3A : memref<!tpu.dma_semaphore, #tpu.memory_space<semaphore_mem>>)
        %dma_wait3A_54 = arith.constant 0 : i32
        %dma_wait3A_55 = tpu.memref_slice %arg6[%mul3A_49, %dma_wait3A_54] : memref<2560x128xi32, #tpu.memory_space<hbm>> -> memref<160x128xi32, #tpu.memory_space<hbm>>
        %dma_wait3A_56 = arith.constant 0 : i32
        %dma_wait3A_57 = tpu.memref_slice %arg6[%mul3A_49, %dma_wait3A_56] : memref<2560x128xi32, #tpu.memory_space<hbm>> -> memref<160x128xi32, #tpu.memory_space<hbm>>
        tpu.wait_dma2 semaphore(%run_scoped3A : memref<!tpu.dma_semaphore, #tpu.memory_space<semaphore_mem>>) src(%dma_wait3A_57 : memref<160x128xi32, #tpu.memory_space<hbm>>) dst(%arg9 : memref<160x128xi32, #tpu.memory_space<vmem>>)
        tpu.yield
      }) : () -> ()
    } else {
    }
    %scan3A_13 = arith.constant 0 : i32
    %scan3A_14 = arith.constant 0 : i32
    %scan3A_15 = arith.constant 8 : i32
    %scan3A_16 = arith.addi %scan3A_14, %scan3A_15 : i32
    %scan3A_17 = arith.constant 1 : i32
    %scan3A_18 = scf.for %scan3A_46 = %scan3A_14 to %scan3A_16 step %scan3A_17 iter_args(%scan3A_47 = %scan3A_13) -> (i32)  : i32 {
      %mul3A_48 = arith.constant 960 : i32
      %mul3A_49 = arith.muli %arg1, %mul3A_48 : i32
      %mul3A_50 = arith.constant 120 : i32
      %mul3A_51 = arith.muli %scan3A_46, %mul3A_50 : i32
      %add3A_52 = arith.addi %mul3A_49, %mul3A_51 : i32
      "tpu.region"() ({
        %run_scoped3A = tpu.sem_alloc : memref<!tpu.dma_semaphore, #tpu.memory_space<semaphore_mem>>
        %dma_start3A_54 = arith.constant 0 : i32
        %dma_start3A_55 = tpu.memref_slice %arg13[%add3A_52, %dma_start3A_54] : memref<15360x64xf32, #tpu.memory_space<vmem_shared>> -> memref<120x64xf32, #tpu.memory_space<vmem_shared>>
        %dma_start3A_56 = arith.constant 0 : i32
        %dma_start3A_57 = tpu.memref_slice %arg13[%add3A_52, %dma_start3A_56] : memref<15360x64xf32, #tpu.memory_space<vmem_shared>> -> memref<120x64xf32, #tpu.memory_space<vmem_shared>>
        tpu.enqueue_dma source(%arg12 : memref<120x64xf32, #tpu.memory_space<vmem>>) target(%dma_start3A_57 : memref<120x64xf32, #tpu.memory_space<vmem_shared>>) target_semaphore(%run_scoped3A : memref<!tpu.dma_semaphore, #tpu.memory_space<semaphore_mem>>)
        %dma_wait3A_58 = arith.constant 0 : i32
        %dma_wait3A_59 = tpu.memref_slice %arg13[%add3A_52, %dma_wait3A_58] : memref<15360x64xf32, #tpu.memory_space<vmem_shared>> -> memref<120x64xf32, #tpu.memory_space<vmem_shared>>
        %dma_wait3A_60 = arith.constant 0 : i32
        %dma_wait3A_61 = tpu.memref_slice %arg13[%add3A_52, %dma_wait3A_60] : memref<15360x64xf32, #tpu.memory_space<vmem_shared>> -> memref<120x64xf32, #tpu.memory_space<vmem_shared>>
        tpu.wait_dma2 semaphore(%run_scoped3A : memref<!tpu.dma_semaphore, #tpu.memory_space<semaphore_mem>>) src(%arg12 : memref<120x64xf32, #tpu.memory_space<vmem>>) dst(%dma_wait3A_61 : memref<120x64xf32, #tpu.memory_space<vmem_shared>>)
        tpu.yield
      }) : () -> ()
      %scan3A_53 = arith.constant 0 : i32
      scf.yield %scan3A_53 : i32
    }
    %scan3A_19 = arith.constant 8 : i32
    %barrier3A = arith.constant 0 : index
    tpu.barrier barrier_id(%barrier3A)
    %dma_start3A = arith.constant 0 : i32
    %dma_start3A_20 = arith.constant 0 : i32
    %dma_start3A_21 = tpu.memref_slice %arg8[%dma_start3A, %dma_start3A_20] : memref<160x128xi32, #tpu.memory_space<vmem>> -> memref<1x128xi32, #tpu.memory_space<vmem>>
    %dma_start3A_22 = tpu.memref_squeeze %dma_start3A_21 : memref<1x128xi32, #tpu.memory_space<vmem>> -> memref<128xi32, #tpu.memory_space<vmem>>
    %dma_start3A_23 = arith.constant 0 : i32
    %dma_start3A_24 = arith.constant 0 : i32
    %dma_start3A_25 = tpu.memref_slice %arg2[%dma_start3A_23, %dma_start3A_24] : memref<30720x64xf32, #tpu.memory_space<hbm>> -> memref<30720x64xf32, #tpu.memory_space<hbm>>
    %dma_start3A_26 = arith.constant 2147483647 : i32
    tpu.enqueue_indirect_dma source(%dma_start3A_25 : memref<30720x64xf32, #tpu.memory_space<hbm>>) target(%arg10 : memref<128x64xf32, #tpu.memory_space<vmem>>) offsets(%dma_start3A_22 : memref<128xi32, #tpu.memory_space<vmem>>) offset_filter(%dma_start3A_26) semaphore(%arg14 : memref<!tpu.dma_semaphore, #tpu.memory_space<semaphore_mem>>)
    %scan3A_27 = arith.constant 0 : i32
    %scan3A_28 = arith.constant 0 : i32
    %scan3A_29 = arith.constant 80 : i32
    %scan3A_30 = arith.addi %scan3A_28, %scan3A_29 : i32
    %scan3A_31 = arith.constant 1 : i32
    %scan3A_32 = scf.for %scan3A_46 = %scan3A_28 to %scan3A_30 step %scan3A_31 iter_args(%scan3A_47 = %scan3A_27) -> (i32)  : i32 {
      %mul3A_48 = arith.constant 2 : i32
      %mul3A_49 = arith.muli %mul3A_48, %scan3A_46 : i32
      %add3A_50 = arith.constant 1 : i32
      %add3A_51 = arith.addi %mul3A_49, %add3A_50 : i32
      %dma_start3A_52 = arith.constant 0 : i32
      %dma_start3A_53 = tpu.memref_slice %arg8[%add3A_51, %dma_start3A_52] : memref<160x128xi32, #tpu.memory_space<vmem>> -> memref<1x128xi32, #tpu.memory_space<vmem>>
      %dma_start3A_54 = tpu.memref_squeeze %dma_start3A_53 : memref<1x128xi32, #tpu.memory_space<vmem>> -> memref<128xi32, #tpu.memory_space<vmem>>
      %dma_start3A_55 = arith.constant 0 : i32
      %dma_start3A_56 = arith.constant 0 : i32
      %dma_start3A_57 = tpu.memref_slice %arg2[%dma_start3A_55, %dma_start3A_56] : memref<30720x64xf32, #tpu.memory_space<hbm>> -> memref<30720x64xf32, #tpu.memory_space<hbm>>
      %dma_start3A_58 = arith.constant 2147483647 : i32
      tpu.enqueue_indirect_dma source(%dma_start3A_57 : memref<30720x64xf32, #tpu.memory_space<hbm>>) target(%arg11 : memref<128x64xf32, #tpu.memory_space<vmem>>) offsets(%dma_start3A_54 : memref<128xi32, #tpu.memory_space<vmem>>) offset_filter(%dma_start3A_58) semaphore(%arg15 : memref<!tpu.dma_semaphore, #tpu.memory_space<semaphore_mem>>)
      %dma_wait3A_59 = arith.constant 0 : i32
      %dma_wait3A_60 = arith.constant 0 : i32
      %dma_wait3A_61 = tpu.memref_slice %arg8[%dma_wait3A_59, %dma_wait3A_60] : memref<160x128xi32, #tpu.memory_space<vmem>> -> memref<1x128xi32, #tpu.memory_space<vmem>>
      %dma_wait3A_62 = tpu.memref_squeeze %dma_wait3A_61 : memref<1x128xi32, #tpu.memory_space<vmem>> -> memref<128xi32, #tpu.memory_space<vmem>>
      %dma_wait3A_63 = arith.constant 0 : i32
      %dma_wait3A_64 = arith.constant 0 : i32
      %dma_wait3A_65 = tpu.memref_slice %arg2[%dma_wait3A_63, %dma_wait3A_64] : memref<30720x64xf32, #tpu.memory_space<hbm>> -> memref<30720x64xf32, #tpu.memory_space<hbm>>
      tpu.wait_indirect_dma semaphore(%arg14 : memref<!tpu.dma_semaphore, #tpu.memory_space<semaphore_mem>>) src(%dma_wait3A_65 : memref<30720x64xf32, #tpu.memory_space<hbm>>) dst(%arg10 : memref<128x64xf32, #tpu.memory_space<vmem>>)
      "tpu.region"() ({
        %run_scoped3A = tpu.sem_alloc : memref<!tpu.dma_semaphore, #tpu.memory_space<semaphore_mem>>
        %dma_start3A_84 = arith.constant 0 : i32
        %dma_start3A_85 = tpu.memref_slice %arg9[%mul3A_49, %dma_start3A_84] : memref<160x128xi32, #tpu.memory_space<vmem>> -> memref<1x128xi32, #tpu.memory_space<vmem>>
        %dma_start3A_86 = tpu.memref_squeeze %dma_start3A_85 : memref<1x128xi32, #tpu.memory_space<vmem>> -> memref<128xi32, #tpu.memory_space<vmem>>
        %dma_start3A_87 = arith.constant 0 : i32
        %dma_start3A_88 = arith.constant 0 : i32
        %dma_start3A_89 = tpu.memref_slice %arg13[%dma_start3A_87, %dma_start3A_88] : memref<15360x64xf32, #tpu.memory_space<vmem_shared>> -> memref<15360x64xf32, #tpu.memory_space<vmem_shared>>
        %dma_start3A_90 = arith.constant 2147483647 : i32
        tpu.enqueue_indirect_dma source(%arg10 : memref<128x64xf32, #tpu.memory_space<vmem>>) target(%dma_start3A_89 : memref<15360x64xf32, #tpu.memory_space<vmem_shared>>) offsets(%dma_start3A_86 : memref<128xi32, #tpu.memory_space<vmem>>) offset_filter(%dma_start3A_90) semaphore(%run_scoped3A : memref<!tpu.dma_semaphore, #tpu.memory_space<semaphore_mem>>) {add = true}
        %dma_wait3A_91 = arith.constant 0 : i32
        %dma_wait3A_92 = tpu.memref_slice %arg9[%mul3A_49, %dma_wait3A_91] : memref<160x128xi32, #tpu.memory_space<vmem>> -> memref<1x128xi32, #tpu.memory_space<vmem>>
        %dma_wait3A_93 = tpu.memref_squeeze %dma_wait3A_92 : memref<1x128xi32, #tpu.memory_space<vmem>> -> memref<128xi32, #tpu.memory_space<vmem>>
        %dma_wait3A_94 = arith.constant 0 : i32
        %dma_wait3A_95 = arith.constant 0 : i32
        %dma_wait3A_96 = tpu.memref_slice %arg13[%dma_wait3A_94, %dma_wait3A_95] : memref<15360x64xf32, #tpu.memory_space<vmem_shared>> -> memref<15360x64xf32, #tpu.memory_space<vmem_shared>>
        tpu.wait_indirect_dma semaphore(%run_scoped3A : memref<!tpu.dma_semaphore, #tpu.memory_space<semaphore_mem>>) src(%arg10 : memref<128x64xf32, #tpu.memory_space<vmem>>) dst(%dma_wait3A_96 : memref<15360x64xf32, #tpu.memory_space<vmem_shared>>)
        tpu.yield
      }) : () -> ()
      %add3A_66 = arith.constant 1 : i32
      %add3A_67 = arith.addi %add3A_51, %add3A_66 : i32
      %min3A = arith.constant 159 : i32
      %min3A_68 = arith.minsi %add3A_67, %min3A : i32
      %dma_start3A_69 = arith.constant 0 : i32
      %dma_start3A_70 = tpu.memref_slice %arg8[%min3A_68, %dma_start3A_69] : memref<160x128xi32, #tpu.memory_space<vmem>> -> memref<1x128xi32, #tpu.memory_space<vmem>>
      %dma_start3A_71 = tpu.memref_squeeze %dma_start3A_70 : memref<1x128xi32, #tpu.memory_space<vmem>> -> memref<128xi32, #tpu.memory_space<vmem>>
      %dma_start3A_72 = arith.constant 0 : i32
      %dma_start3A_73 = arith.constant 0 : i32
      %dma_start3A_74 = tpu.memref_slice %arg2[%dma_start3A_72, %dma_start3A_73] : memref<30720x64xf32, #tpu.memory_space<hbm>> -> memref<30720x64xf32, #tpu.memory_space<hbm>>
      %dma_start3A_75 = arith.constant 2147483647 : i32
      tpu.enqueue_indirect_dma source(%dma_start3A_74 : memref<30720x64xf32, #tpu.memory_space<hbm>>) target(%arg10 : memref<128x64xf32, #tpu.memory_space<vmem>>) offsets(%dma_start3A_71 : memref<128xi32, #tpu.memory_space<vmem>>) offset_filter(%dma_start3A_75) semaphore(%arg14 : memref<!tpu.dma_semaphore, #tpu.memory_space<semaphore_mem>>)
      %dma_wait3A_76 = arith.constant 0 : i32
      %dma_wait3A_77 = arith.constant 0 : i32
      %dma_wait3A_78 = tpu.memref_slice %arg8[%dma_wait3A_76, %dma_wait3A_77] : memref<160x128xi32, #tpu.memory_space<vmem>> -> memref<1x128xi32, #tpu.memory_space<vmem>>
      %dma_wait3A_79 = tpu.memref_squeeze %dma_wait3A_78 : memref<1x128xi32, #tpu.memory_space<vmem>> -> memref<128xi32, #tpu.memory_space<vmem>>
      %dma_wait3A_80 = arith.constant 0 : i32
      %dma_wait3A_81 = arith.constant 0 : i32
      %dma_wait3A_82 = tpu.memref_slice %arg2[%dma_wait3A_80, %dma_wait3A_81] : memref<30720x64xf32, #tpu.memory_space<hbm>> -> memref<30720x64xf32, #tpu.memory_space<hbm>>
      tpu.wait_indirect_dma semaphore(%arg15 : memref<!tpu.dma_semaphore, #tpu.memory_space<semaphore_mem>>) src(%dma_wait3A_82 : memref<30720x64xf32, #tpu.memory_space<hbm>>) dst(%arg11 : memref<128x64xf32, #tpu.memory_space<vmem>>)
      "tpu.region"() ({
        %run_scoped3A = tpu.sem_alloc : memref<!tpu.dma_semaphore, #tpu.memory_space<semaphore_mem>>
        %dma_start3A_84 = arith.constant 0 : i32
        %dma_start3A_85 = tpu.memref_slice %arg9[%add3A_51, %dma_start3A_84] : memref<160x128xi32, #tpu.memory_space<vmem>> -> memref<1x128xi32, #tpu.memory_space<vmem>>
        %dma_start3A_86 = tpu.memref_squeeze %dma_start3A_85 : memref<1x128xi32, #tpu.memory_space<vmem>> -> memref<128xi32, #tpu.memory_space<vmem>>
        %dma_start3A_87 = arith.constant 0 : i32
        %dma_start3A_88 = arith.constant 0 : i32
        %dma_start3A_89 = tpu.memref_slice %arg13[%dma_start3A_87, %dma_start3A_88] : memref<15360x64xf32, #tpu.memory_space<vmem_shared>> -> memref<15360x64xf32, #tpu.memory_space<vmem_shared>>
        %dma_start3A_90 = arith.constant 2147483647 : i32
        tpu.enqueue_indirect_dma source(%arg11 : memref<128x64xf32, #tpu.memory_space<vmem>>) target(%dma_start3A_89 : memref<15360x64xf32, #tpu.memory_space<vmem_shared>>) offsets(%dma_start3A_86 : memref<128xi32, #tpu.memory_space<vmem>>) offset_filter(%dma_start3A_90) semaphore(%run_scoped3A : memref<!tpu.dma_semaphore, #tpu.memory_space<semaphore_mem>>) {add = true}
        %dma_wait3A_91 = arith.constant 0 : i32
        %dma_wait3A_92 = tpu.memref_slice %arg9[%add3A_51, %dma_wait3A_91] : memref<160x128xi32, #tpu.memory_space<vmem>> -> memref<1x128xi32, #tpu.memory_space<vmem>>
        %dma_wait3A_93 = tpu.memref_squeeze %dma_wait3A_92 : memref<1x128xi32, #tpu.memory_space<vmem>> -> memref<128xi32, #tpu.memory_space<vmem>>
        %dma_wait3A_94 = arith.constant 0 : i32
        %dma_wait3A_95 = arith.constant 0 : i32
        %dma_wait3A_96 = tpu.memref_slice %arg13[%dma_wait3A_94, %dma_wait3A_95] : memref<15360x64xf32, #tpu.memory_space<vmem_shared>> -> memref<15360x64xf32, #tpu.memory_space<vmem_shared>>
        tpu.wait_indirect_dma semaphore(%run_scoped3A : memref<!tpu.dma_semaphore, #tpu.memory_space<semaphore_mem>>) src(%arg11 : memref<128x64xf32, #tpu.memory_space<vmem>>) dst(%dma_wait3A_96 : memref<15360x64xf32, #tpu.memory_space<vmem_shared>>)
        tpu.yield
      }) : () -> ()
      %scan3A_83 = arith.constant 0 : i32
      scf.yield %scan3A_83 : i32
    }
    %scan3A_33 = arith.constant 80 : i32
    %dma_wait3A = arith.constant 0 : i32
    %dma_wait3A_34 = arith.constant 0 : i32
    %dma_wait3A_35 = tpu.memref_slice %arg8[%dma_wait3A, %dma_wait3A_34] : memref<160x128xi32, #tpu.memory_space<vmem>> -> memref<1x128xi32, #tpu.memory_space<vmem>>
    %dma_wait3A_36 = tpu.memref_squeeze %dma_wait3A_35 : memref<1x128xi32, #tpu.memory_space<vmem>> -> memref<128xi32, #tpu.memory_space<vmem>>
    %dma_wait3A_37 = arith.constant 0 : i32
    %dma_wait3A_38 = arith.constant 0 : i32
    %dma_wait3A_39 = tpu.memref_slice %arg2[%dma_wait3A_37, %dma_wait3A_38] : memref<30720x64xf32, #tpu.memory_space<hbm>> -> memref<30720x64xf32, #tpu.memory_space<hbm>>
    tpu.wait_indirect_dma semaphore(%arg14 : memref<!tpu.dma_semaphore, #tpu.memory_space<semaphore_mem>>) src(%dma_wait3A_39 : memref<30720x64xf32, #tpu.memory_space<hbm>>) dst(%arg10 : memref<128x64xf32, #tpu.memory_space<vmem>>)
    %barrier3A_40 = arith.constant 0 : index
    tpu.barrier barrier_id(%barrier3A_40)
    %mul3A = arith.constant 960 : i32
    %mul3A_41 = arith.muli %arg1, %mul3A : i32
    %mul3A_42 = arith.constant 15360 : i32
    %mul3A_43 = arith.muli %arg0, %mul3A_42 : i32
    %mul3A_44 = arith.constant 960 : i32
    %mul3A_45 = arith.muli %arg1, %mul3A_44 : i32
    %add3A = arith.addi %mul3A_43, %mul3A_45 : i32
    "tpu.region"() ({
      %run_scoped3A = tpu.sem_alloc : memref<!tpu.dma_semaphore, #tpu.memory_space<semaphore_mem>>
      %dma_start3A_46 = arith.constant 0 : i32
      %dma_start3A_47 = tpu.memref_slice %arg7[%add3A, %dma_start3A_46] : memref<30720x64xf32, #tpu.memory_space<hbm>> -> memref<960x64xf32, #tpu.memory_space<hbm>>
      %dma_start3A_48 = arith.constant 0 : i32
      %dma_start3A_49 = tpu.memref_slice %arg13[%mul3A_41, %dma_start3A_48] : memref<15360x64xf32, #tpu.memory_space<vmem_shared>> -> memref<960x64xf32, #tpu.memory_space<vmem_shared>>
      tpu.enqueue_dma source(%dma_start3A_49 : memref<960x64xf32, #tpu.memory_space<vmem_shared>>) target(%dma_start3A_47 : memref<960x64xf32, #tpu.memory_space<hbm>>) target_semaphore(%run_scoped3A : memref<!tpu.dma_semaphore, #tpu.memory_space<semaphore_mem>>)
      %dma_wait3A_50 = arith.constant 0 : i32
      %dma_wait3A_51 = tpu.memref_slice %arg7[%add3A, %dma_wait3A_50] : memref<30720x64xf32, #tpu.memory_space<hbm>> -> memref<960x64xf32, #tpu.memory_space<hbm>>
      %dma_wait3A_52 = arith.constant 0 : i32
      %dma_wait3A_53 = tpu.memref_slice %arg13[%mul3A_41, %dma_wait3A_52] : memref<15360x64xf32, #tpu.memory_space<vmem_shared>> -> memref<960x64xf32, #tpu.memory_space<vmem_shared>>
      tpu.wait_dma2 semaphore(%run_scoped3A : memref<!tpu.dma_semaphore, #tpu.memory_space<semaphore_mem>>) src(%dma_wait3A_53 : memref<960x64xf32, #tpu.memory_space<vmem_shared>>) dst(%dma_wait3A_51 : memref<960x64xf32, #tpu.memory_space<hbm>>)
      tpu.yield
    }) : () -> ()
    return
  }
}

#map = affine_map<(d0, d1) -> (0, 0)>
#map1 = affine_map<(d0, d1) -> (0)>
module attributes {stable_mosaic.version = 14 : i64} {
  func.func @_deg_sc(%arg0: i32, %arg1: i32, %arg2: memref<2560x128xi32, #tpu.memory_space<hbm>>, %arg3: memref<2560x128xi32, #tpu.memory_space<hbm>>, %arg4: memref<30720xf32, #tpu.memory_space<hbm>>, %arg5: memref<160x128xi32, #tpu.memory_space<vmem>>, %arg6: memref<128xf32, #tpu.memory_space<vmem>>, %arg7: memref<960xf32, #tpu.memory_space<vmem>>, %arg8: memref<15360xf32, #tpu.memory_space<vmem_shared>>) attributes {dimension_semantics = [#tpu.dimension_semantics<core_parallel>, #tpu.dimension_semantics<subcore_parallel>], iteration_bounds = array<i64: 2, 16>, scalar_prefetch = 0 : i64, scratch_operands = 4 : i64, tpu.core_type = #tpu.core_type<sc_vector_subcore>, window_params = [{transform_indices = #map}, {transform_indices = #map}, {transform_indices = #map1}]} {
    %scan3A = arith.constant 0 : i32
    %scan3A_0 = arith.constant 0 : i32
    %scan3A_1 = arith.constant 8 : i32
    %scan3A_2 = arith.addi %scan3A_0, %scan3A_1 : i32
    %scan3A_3 = arith.constant 1 : i32
    %scan3A_4 = scf.for %scan3A_35 = %scan3A_0 to %scan3A_2 step %scan3A_3 iter_args(%scan3A_36 = %scan3A) -> (i32)  : i32 {
      %broadcast_in_dim3A = arith.constant 1.000000e+00 : f32
      %broadcast_in_dim3A_37 = vector.broadcast %broadcast_in_dim3A : f32 to vector<16xf32>
      %mul3A_38 = arith.constant 16 : i32
      %mul3A_39 = arith.muli %scan3A_35, %mul3A_38 : i32
      %swap3A = arith.index_cast %mul3A_39 : i32 to index
      %swap3A_40 = tpu.vector_load %arg6[%swap3A] {strides = array<i32>} : memref<128xf32, #tpu.memory_space<vmem>>, vector<16xf32>,
      %swap3A_41 = vector.shape_cast %swap3A_40 : vector<16xf32> to vector<16xf32>
      %swap3A_42 = vector.shape_cast %broadcast_in_dim3A_37 : vector<16xf32> to vector<16xf32>
      tpu.vector_store %arg6[%swap3A], %swap3A_42 {strides = array<i32>} : memref<128xf32, #tpu.memory_space<vmem>>, vector<16xf32>,
      %scan3A_43 = arith.constant 0 : i32
      scf.yield %scan3A_43 : i32
    }
    %scan3A_5 = arith.constant 8 : i32
    %scan3A_6 = arith.constant 0 : i32
    %scan3A_7 = arith.constant 0 : i32
    %scan3A_8 = arith.constant 60 : i32
    %scan3A_9 = arith.addi %scan3A_7, %scan3A_8 : i32
    %scan3A_10 = arith.constant 1 : i32
    %scan3A_11 = scf.for %scan3A_35 = %scan3A_7 to %scan3A_9 step %scan3A_10 iter_args(%scan3A_36 = %scan3A_6) -> (i32)  : i32 {
      %broadcast_in_dim3A = arith.constant 0.000000e+00 : f32
      %broadcast_in_dim3A_37 = vector.broadcast %broadcast_in_dim3A : f32 to vector<16xf32>
      %mul3A_38 = arith.constant 16 : i32
      %mul3A_39 = arith.muli %scan3A_35, %mul3A_38 : i32
      %swap3A = arith.index_cast %mul3A_39 : i32 to index
      %swap3A_40 = tpu.vector_load %arg7[%swap3A] {strides = array<i32>} : memref<960xf32, #tpu.memory_space<vmem>>, vector<16xf32>,
      %swap3A_41 = vector.shape_cast %swap3A_40 : vector<16xf32> to vector<16xf32>
      %swap3A_42 = vector.shape_cast %broadcast_in_dim3A_37 : vector<16xf32> to vector<16xf32>
      tpu.vector_store %arg7[%swap3A], %swap3A_42 {strides = array<i32>} : memref<960xf32, #tpu.memory_space<vmem>>, vector<16xf32>,
      %scan3A_43 = arith.constant 0 : i32
      scf.yield %scan3A_43 : i32
    }
    %scan3A_12 = arith.constant 60 : i32
    %eq3A = arith.constant 0 : i32
    %eq3A_13 = arith.cmpi eq, %arg0, %eq3A : i32
    %convert_element_type3A = arith.extui %eq3A_13 : i1 to i32
    %cond3A = arith.constant 0 : i32
    %cond3A_14 = arith.cmpi ne, %convert_element_type3A, %cond3A : i32
    scf.if %cond3A_14 {
      %mul3A_35 = arith.constant 160 : i32
      %mul3A_36 = arith.muli %arg1, %mul3A_35 : i32
      "tpu.region"() ({
        %run_scoped3A = tpu.sem_alloc : memref<!tpu.dma_semaphore, #tpu.memory_space<semaphore_mem>>
        %dma_start3A = arith.constant 0 : i32
        %dma_start3A_37 = tpu.memref_slice %arg2[%mul3A_36, %dma_start3A] : memref<2560x128xi32, #tpu.memory_space<hbm>> -> memref<160x128xi32, #tpu.memory_space<hbm>>
        %dma_start3A_38 = arith.constant 0 : i32
        %dma_start3A_39 = tpu.memref_slice %arg2[%mul3A_36, %dma_start3A_38] : memref<2560x128xi32, #tpu.memory_space<hbm>> -> memref<160x128xi32, #tpu.memory_space<hbm>>
        tpu.enqueue_dma source(%dma_start3A_39 : memref<160x128xi32, #tpu.memory_space<hbm>>) target(%arg5 : memref<160x128xi32, #tpu.memory_space<vmem>>) target_semaphore(%run_scoped3A : memref<!tpu.dma_semaphore, #tpu.memory_space<semaphore_mem>>)
        %dma_wait3A = arith.constant 0 : i32
        %dma_wait3A_40 = tpu.memref_slice %arg2[%mul3A_36, %dma_wait3A] : memref<2560x128xi32, #tpu.memory_space<hbm>> -> memref<160x128xi32, #tpu.memory_space<hbm>>
        %dma_wait3A_41 = arith.constant 0 : i32
        %dma_wait3A_42 = tpu.memref_slice %arg2[%mul3A_36, %dma_wait3A_41] : memref<2560x128xi32, #tpu.memory_space<hbm>> -> memref<160x128xi32, #tpu.memory_space<hbm>>
        tpu.wait_dma2 semaphore(%run_scoped3A : memref<!tpu.dma_semaphore, #tpu.memory_space<semaphore_mem>>) src(%dma_wait3A_42 : memref<160x128xi32, #tpu.memory_space<hbm>>) dst(%arg5 : memref<160x128xi32, #tpu.memory_space<vmem>>)
        tpu.yield
      }) : () -> ()
    } else {
    }
    %eq3A_15 = arith.constant 1 : i32
    %eq3A_16 = arith.cmpi eq, %arg0, %eq3A_15 : i32
    %convert_element_type3A_17 = arith.extui %eq3A_16 : i1 to i32
    %cond3A_18 = arith.constant 0 : i32
    %cond3A_19 = arith.cmpi ne, %convert_element_type3A_17, %cond3A_18 : i32
    scf.if %cond3A_19 {
      %mul3A_35 = arith.constant 160 : i32
      %mul3A_36 = arith.muli %arg1, %mul3A_35 : i32
      "tpu.region"() ({
        %run_scoped3A = tpu.sem_alloc : memref<!tpu.dma_semaphore, #tpu.memory_space<semaphore_mem>>
        %dma_start3A = arith.constant 0 : i32
        %dma_start3A_37 = tpu.memref_slice %arg3[%mul3A_36, %dma_start3A] : memref<2560x128xi32, #tpu.memory_space<hbm>> -> memref<160x128xi32, #tpu.memory_space<hbm>>
        %dma_start3A_38 = arith.constant 0 : i32
        %dma_start3A_39 = tpu.memref_slice %arg3[%mul3A_36, %dma_start3A_38] : memref<2560x128xi32, #tpu.memory_space<hbm>> -> memref<160x128xi32, #tpu.memory_space<hbm>>
        tpu.enqueue_dma source(%dma_start3A_39 : memref<160x128xi32, #tpu.memory_space<hbm>>) target(%arg5 : memref<160x128xi32, #tpu.memory_space<vmem>>) target_semaphore(%run_scoped3A : memref<!tpu.dma_semaphore, #tpu.memory_space<semaphore_mem>>)
        %dma_wait3A = arith.constant 0 : i32
        %dma_wait3A_40 = tpu.memref_slice %arg3[%mul3A_36, %dma_wait3A] : memref<2560x128xi32, #tpu.memory_space<hbm>> -> memref<160x128xi32, #tpu.memory_space<hbm>>
        %dma_wait3A_41 = arith.constant 0 : i32
        %dma_wait3A_42 = tpu.memref_slice %arg3[%mul3A_36, %dma_wait3A_41] : memref<2560x128xi32, #tpu.memory_space<hbm>> -> memref<160x128xi32, #tpu.memory_space<hbm>>
        tpu.wait_dma2 semaphore(%run_scoped3A : memref<!tpu.dma_semaphore, #tpu.memory_space<semaphore_mem>>) src(%dma_wait3A_42 : memref<160x128xi32, #tpu.memory_space<hbm>>) dst(%arg5 : memref<160x128xi32, #tpu.memory_space<vmem>>)
        tpu.yield
      }) : () -> ()
    } else {
    }
    %mul3A = arith.constant 960 : i32
    %mul3A_20 = arith.muli %arg1, %mul3A : i32
    "tpu.region"() ({
      %run_scoped3A = tpu.sem_alloc : memref<!tpu.dma_semaphore, #tpu.memory_space<semaphore_mem>>
      %dma_start3A = tpu.memref_slice %arg8[%mul3A_20] : memref<15360xf32, #tpu.memory_space<vmem_shared>> -> memref<960xf32, #tpu.memory_space<vmem_shared>>
      %dma_start3A_35 = tpu.memref_slice %arg8[%mul3A_20] : memref<15360xf32, #tpu.memory_space<vmem_shared>> -> memref<960xf32, #tpu.memory_space<vmem_shared>>
      tpu.enqueue_dma source(%arg7 : memref<960xf32, #tpu.memory_space<vmem>>) target(%dma_start3A_35 : memref<960xf32, #tpu.memory_space<vmem_shared>>) target_semaphore(%run_scoped3A : memref<!tpu.dma_semaphore, #tpu.memory_space<semaphore_mem>>)
      %dma_wait3A = tpu.memref_slice %arg8[%mul3A_20] : memref<15360xf32, #tpu.memory_space<vmem_shared>> -> memref<960xf32, #tpu.memory_space<vmem_shared>>
      %dma_wait3A_36 = tpu.memref_slice %arg8[%mul3A_20] : memref<15360xf32, #tpu.memory_space<vmem_shared>> -> memref<960xf32, #tpu.memory_space<vmem_shared>>
      tpu.wait_dma2 semaphore(%run_scoped3A : memref<!tpu.dma_semaphore, #tpu.memory_space<semaphore_mem>>) src(%arg7 : memref<960xf32, #tpu.memory_space<vmem>>) dst(%dma_wait3A_36 : memref<960xf32, #tpu.memory_space<vmem_shared>>)
      tpu.yield
    }) : () -> ()
    %barrier3A = arith.constant 0 : index
    tpu.barrier barrier_id(%barrier3A)
    %scan3A_21 = arith.constant 0 : i32
    %scan3A_22 = arith.constant 0 : i32
    %scan3A_23 = arith.constant 160 : i32
    %scan3A_24 = arith.addi %scan3A_22, %scan3A_23 : i32
    %scan3A_25 = arith.constant 1 : i32
    %scan3A_26 = scf.for %scan3A_35 = %scan3A_22 to %scan3A_24 step %scan3A_25 iter_args(%scan3A_36 = %scan3A_21) -> (i32)  : i32 {
      "tpu.region"() ({
        %run_scoped3A = tpu.sem_alloc : memref<!tpu.dma_semaphore, #tpu.memory_space<semaphore_mem>>
        %dma_start3A = arith.constant 0 : i32
        %dma_start3A_38 = tpu.memref_slice %arg5[%scan3A_35, %dma_start3A] : memref<160x128xi32, #tpu.memory_space<vmem>> -> memref<1x128xi32, #tpu.memory_space<vmem>>
        %dma_start3A_39 = tpu.memref_squeeze %dma_start3A_38 : memref<1x128xi32, #tpu.memory_space<vmem>> -> memref<128xi32, #tpu.memory_space<vmem>>
        %dma_start3A_40 = arith.constant 0 : i32
        %dma_start3A_41 = tpu.memref_slice %arg8[%dma_start3A_40] : memref<15360xf32, #tpu.memory_space<vmem_shared>> -> memref<15360xf32, #tpu.memory_space<vmem_shared>>
        %dma_start3A_42 = arith.constant 2147483647 : i32
        tpu.enqueue_indirect_dma source(%arg6 : memref<128xf32, #tpu.memory_space<vmem>>) target(%dma_start3A_41 : memref<15360xf32, #tpu.memory_space<vmem_shared>>) offsets(%dma_start3A_39 : memref<128xi32, #tpu.memory_space<vmem>>) offset_filter(%dma_start3A_42) semaphore(%run_scoped3A : memref<!tpu.dma_semaphore, #tpu.memory_space<semaphore_mem>>) {add = true}
        %dma_wait3A = arith.constant 0 : i32
        %dma_wait3A_43 = tpu.memref_slice %arg5[%scan3A_35, %dma_wait3A] : memref<160x128xi32, #tpu.memory_space<vmem>> -> memref<1x128xi32, #tpu.memory_space<vmem>>
        %dma_wait3A_44 = tpu.memref_squeeze %dma_wait3A_43 : memref<1x128xi32, #tpu.memory_space<vmem>> -> memref<128xi32, #tpu.memory_space<vmem>>
        %dma_wait3A_45 = arith.constant 0 : i32
        %dma_wait3A_46 = tpu.memref_slice %arg8[%dma_wait3A_45] : memref<15360xf32, #tpu.memory_space<vmem_shared>> -> memref<15360xf32, #tpu.memory_space<vmem_shared>>
        tpu.wait_indirect_dma semaphore(%run_scoped3A : memref<!tpu.dma_semaphore, #tpu.memory_space<semaphore_mem>>) src(%arg6 : memref<128xf32, #tpu.memory_space<vmem>>) dst(%dma_wait3A_46 : memref<15360xf32, #tpu.memory_space<vmem_shared>>)
        tpu.yield
      }) : () -> ()
      %scan3A_37 = arith.constant 0 : i32
      scf.yield %scan3A_37 : i32
    }
    %scan3A_27 = arith.constant 160 : i32
    %barrier3A_28 = arith.constant 0 : index
    tpu.barrier barrier_id(%barrier3A_28)
    %mul3A_29 = arith.constant 960 : i32
    %mul3A_30 = arith.muli %arg1, %mul3A_29 : i32
    %mul3A_31 = arith.constant 15360 : i32
    %mul3A_32 = arith.muli %arg0, %mul3A_31 : i32
    %mul3A_33 = arith.constant 960 : i32
    %mul3A_34 = arith.muli %arg1, %mul3A_33 : i32
    %add3A = arith.addi %mul3A_32, %mul3A_34 : i32
    "tpu.region"() ({
      %run_scoped3A = tpu.sem_alloc : memref<!tpu.dma_semaphore, #tpu.memory_space<semaphore_mem>>
      %dma_start3A = tpu.memref_slice %arg4[%add3A] : memref<30720xf32, #tpu.memory_space<hbm>> -> memref<960xf32, #tpu.memory_space<hbm>>
      %dma_start3A_35 = tpu.memref_slice %arg8[%mul3A_30] : memref<15360xf32, #tpu.memory_space<vmem_shared>> -> memref<960xf32, #tpu.memory_space<vmem_shared>>
      tpu.enqueue_dma source(%dma_start3A_35 : memref<960xf32, #tpu.memory_space<vmem_shared>>) target(%dma_start3A : memref<960xf32, #tpu.memory_space<hbm>>) target_semaphore(%run_scoped3A : memref<!tpu.dma_semaphore, #tpu.memory_space<semaphore_mem>>)
      %dma_wait3A = tpu.memref_slice %arg4[%add3A] : memref<30720xf32, #tpu.memory_space<hbm>> -> memref<960xf32, #tpu.memory_space<hbm>>
      %dma_wait3A_36 = tpu.memref_slice %arg8[%mul3A_30] : memref<15360xf32, #tpu.memory_space<vmem_shared>> -> memref<960xf32, #tpu.memory_space<vmem_shared>>
      tpu.wait_dma2 semaphore(%run_scoped3A : memref<!tpu.dma_semaphore, #tpu.memory_space<semaphore_mem>>) src(%dma_wait3A_36 : memref<960xf32, #tpu.memory_space<vmem_shared>>) dst(%dma_wait3A : memref<960xf32, #tpu.memory_space<hbm>>)
      tpu.yield
    }) : () -> ()
    return
  }
}

#map = affine_map<(d0, d1) -> (0, 0)>
module attributes {stable_mosaic.version = 14 : i64} {
  func.func @_hop_sc(%arg0: i32, %arg1: i32, %arg2: memref<30720x64xf32, #tpu.memory_space<hbm>>, %arg3: memref<2560x128xi32, #tpu.memory_space<hbm>>, %arg4: memref<2560x128xi32, #tpu.memory_space<hbm>>, %arg5: memref<2560x128xi32, #tpu.memory_space<hbm>>, %arg6: memref<2560x128xi32, #tpu.memory_space<hbm>>, %arg7: memref<30720x64xf32, #tpu.memory_space<hbm>>, %arg8: memref<160x128xi32, #tpu.memory_space<vmem>>, %arg9: memref<160x128xi32, #tpu.memory_space<vmem>>, %arg10: memref<128x64xf32, #tpu.memory_space<vmem>>, %arg11: memref<128x64xf32, #tpu.memory_space<vmem>>, %arg12: memref<120x64xf32, #tpu.memory_space<vmem>>, %arg13: memref<15360x64xf32, #tpu.memory_space<vmem_shared>>, %arg14: memref<!tpu.dma_semaphore, #tpu.memory_space<semaphore_mem>>, %arg15: memref<!tpu.dma_semaphore, #tpu.memory_space<semaphore_mem>>) attributes {dimension_semantics = [#tpu.dimension_semantics<core_parallel>, #tpu.dimension_semantics<subcore_parallel>], iteration_bounds = array<i64: 2, 16>, scalar_prefetch = 0 : i64, scratch_operands = 8 : i64, tpu.core_type = #tpu.core_type<sc_vector_subcore>, window_params = [{transform_indices = #map}, {transform_indices = #map}, {transform_indices = #map}, {transform_indices = #map}, {transform_indices = #map}, {transform_indices = #map}]} {
    %scan3A = arith.constant 0 : i32
    %scan3A_0 = arith.constant 0 : i32
    %scan3A_1 = arith.constant 480 : i32
    %scan3A_2 = arith.addi %scan3A_0, %scan3A_1 : i32
    %scan3A_3 = arith.constant 1 : i32
    %scan3A_4 = scf.for %scan3A_46 = %scan3A_0 to %scan3A_2 step %scan3A_3 iter_args(%scan3A_47 = %scan3A) -> (i32)  : i32 {
      %broadcast_in_dim3A = arith.constant 0.000000e+00 : f32
      %broadcast_in_dim3A_48 = vector.broadcast %broadcast_in_dim3A : f32 to vector<16xf32>
      %jit3A = arith.constant 4 : i32
      %div3A = arith.divsi %scan3A_46, %jit3A : i32
      %sign3A = arith.constant 0 : i32
      %sign3A_49 = arith.cmpi sgt, %scan3A_46, %sign3A : i32
      %sign3A_50 = arith.extui %sign3A_49 : i1 to i32
      %sign3A_51 = arith.constant 0 : i32
      %sign3A_52 = arith.cmpi slt, %scan3A_46, %sign3A_51 : i32
      %sign3A_53 = arith.extui %sign3A_52 : i1 to i32
      %sign3A_54 = arith.subi %sign3A_50, %sign3A_53 : i32
      %sign3A_55 = arith.constant 0 : i32
      %sign3A_56 = arith.cmpi sgt, %jit3A, %sign3A_55 : i32
      %sign3A_57 = arith.extui %sign3A_56 : i1 to i32
      %sign3A_58 = arith.constant 0 : i32
      %sign3A_59 = arith.cmpi slt, %jit3A, %sign3A_58 : i32
      %sign3A_60 = arith.extui %sign3A_59 : i1 to i32
      %sign3A_61 = arith.subi %sign3A_57, %sign3A_60 : i32
      %ne3A = arith.cmpi ne, %sign3A_54, %sign3A_61 : i32
      %rem3A = arith.remsi %scan3A_46, %jit3A : i32
      %ne3A_62 = arith.constant 0 : i32
      %ne3A_63 = arith.cmpi ne, %rem3A, %ne3A_62 : i32
      %and3A = arith.andi %ne3A, %ne3A_63 : i1
      %sub3A = arith.constant 1 : i32
      %sub3A_64 = arith.subi %div3A, %sub3A : i32
      %select_n3A = arith.select %and3A, %sub3A_64, %div3A : i32
      %jit3A_65 = arith.constant 4 : i32
      %eq3A_66 = arith.constant 0 : i32
      %eq3A_67 = arith.cmpi eq, %jit3A_65, %eq3A_66 : i32
      %jit3A_68 = arith.constant 1 : i32
      %select_n3A_69 = arith.select %eq3A_67, %jit3A_68, %jit3A_65 : i32
      %rem3A_70 = arith.remsi %scan3A_46, %select_n3A_69 : i32
      %ne3A_71 = arith.constant 0 : i32
      %ne3A_72 = arith.cmpi ne, %rem3A_70, %ne3A_71 : i32
      %lt3A = arith.constant 0 : i32
      %lt3A_73 = arith.cmpi slt, %rem3A_70, %lt3A : i32
      %lt3A_74 = arith.constant 0 : i32
      %lt3A_75 = arith.cmpi slt, %select_n3A_69, %lt3A_74 : i32
      %ne3A_76 = arith.xori %lt3A_73, %lt3A_75 : i1
      %and3A_77 = arith.andi %ne3A_76, %ne3A_72 : i1
      %add3A_78 = arith.addi %rem3A_70, %select_n3A_69 : i32
      %select_n3A_79 = arith.select %and3A_77, %add3A_78, %rem3A_70 : i32
      %mul3A_80 = arith.constant 16 : i32
      %mul3A_81 = arith.muli %select_n3A_79, %mul3A_80 : i32
      %swap3A = arith.index_cast %select_n3A : i32 to index
      %swap3A_82 = arith.index_cast %mul3A_81 : i32 to index
      %swap3A_83 = tpu.vector_load %arg12[%swap3A, %swap3A_82] {strides = array<i32>} : memref<120x64xf32, #tpu.memory_space<vmem>>, vector<1x16xf32>,
      %swap3A_84 = vector.shape_cast %swap3A_83 : vector<1x16xf32> to vector<16xf32>
      %swap3A_85 = vector.shape_cast %broadcast_in_dim3A_48 : vector<16xf32> to vector<1x16xf32>
      tpu.vector_store %arg12[%swap3A, %swap3A_82], %swap3A_85 {strides = array<i32>} : memref<120x64xf32, #tpu.memory_space<vmem>>, vector<1x16xf32>,
      %scan3A_86 = arith.constant 0 : i32
      scf.yield %scan3A_86 : i32
    }
    %scan3A_5 = arith.constant 480 : i32
    %eq3A = arith.constant 0 : i32
    %eq3A_6 = arith.cmpi eq, %arg0, %eq3A : i32
    %convert_element_type3A = arith.extui %eq3A_6 : i1 to i32
    %cond3A = arith.constant 0 : i32
    %cond3A_7 = arith.cmpi ne, %convert_element_type3A, %cond3A : i32
    scf.if %cond3A_7 {
      %mul3A_46 = arith.constant 160 : i32
      %mul3A_47 = arith.muli %arg1, %mul3A_46 : i32
      "tpu.region"() ({
        %run_scoped3A = tpu.sem_alloc : memref<!tpu.dma_semaphore, #tpu.memory_space<semaphore_mem>>
        %dma_start3A_50 = arith.constant 0 : i32
        %dma_start3A_51 = tpu.memref_slice %arg3[%mul3A_47, %dma_start3A_50] : memref<2560x128xi32, #tpu.memory_space<hbm>> -> memref<160x128xi32, #tpu.memory_space<hbm>>
        %dma_start3A_52 = arith.constant 0 : i32
        %dma_start3A_53 = tpu.memref_slice %arg3[%mul3A_47, %dma_start3A_52] : memref<2560x128xi32, #tpu.memory_space<hbm>> -> memref<160x128xi32, #tpu.memory_space<hbm>>
        tpu.enqueue_dma source(%dma_start3A_53 : memref<160x128xi32, #tpu.memory_space<hbm>>) target(%arg8 : memref<160x128xi32, #tpu.memory_space<vmem>>) target_semaphore(%run_scoped3A : memref<!tpu.dma_semaphore, #tpu.memory_space<semaphore_mem>>)
        %dma_wait3A_54 = arith.constant 0 : i32
        %dma_wait3A_55 = tpu.memref_slice %arg3[%mul3A_47, %dma_wait3A_54] : memref<2560x128xi32, #tpu.memory_space<hbm>> -> memref<160x128xi32, #tpu.memory_space<hbm>>
        %dma_wait3A_56 = arith.constant 0 : i32
        %dma_wait3A_57 = tpu.memref_slice %arg3[%mul3A_47, %dma_wait3A_56] : memref<2560x128xi32, #tpu.memory_space<hbm>> -> memref<160x128xi32, #tpu.memory_space<hbm>>
        tpu.wait_dma2 semaphore(%run_scoped3A : memref<!tpu.dma_semaphore, #tpu.memory_space<semaphore_mem>>) src(%dma_wait3A_57 : memref<160x128xi32, #tpu.memory_space<hbm>>) dst(%arg8 : memref<160x128xi32, #tpu.memory_space<vmem>>)
        tpu.yield
      }) : () -> ()
      %mul3A_48 = arith.constant 160 : i32
      %mul3A_49 = arith.muli %arg1, %mul3A_48 : i32
      "tpu.region"() ({
        %run_scoped3A = tpu.sem_alloc : memref<!tpu.dma_semaphore, #tpu.memory_space<semaphore_mem>>
        %dma_start3A_50 = arith.constant 0 : i32
        %dma_start3A_51 = tpu.memref_slice %arg5[%mul3A_49, %dma_start3A_50] : memref<2560x128xi32, #tpu.memory_space<hbm>> -> memref<160x128xi32, #tpu.memory_space<hbm>>
        %dma_start3A_52 = arith.constant 0 : i32
        %dma_start3A_53 = tpu.memref_slice %arg5[%mul3A_49, %dma_start3A_52] : memref<2560x128xi32, #tpu.memory_space<hbm>> -> memref<160x128xi32, #tpu.memory_space<hbm>>
        tpu.enqueue_dma source(%dma_start3A_53 : memref<160x128xi32, #tpu.memory_space<hbm>>) target(%arg9 : memref<160x128xi32, #tpu.memory_space<vmem>>) target_semaphore(%run_scoped3A : memref<!tpu.dma_semaphore, #tpu.memory_space<semaphore_mem>>)
        %dma_wait3A_54 = arith.constant 0 : i32
        %dma_wait3A_55 = tpu.memref_slice %arg5[%mul3A_49, %dma_wait3A_54] : memref<2560x128xi32, #tpu.memory_space<hbm>> -> memref<160x128xi32, #tpu.memory_space<hbm>>
        %dma_wait3A_56 = arith.constant 0 : i32
        %dma_wait3A_57 = tpu.memref_slice %arg5[%mul3A_49, %dma_wait3A_56] : memref<2560x128xi32, #tpu.memory_space<hbm>> -> memref<160x128xi32, #tpu.memory_space<hbm>>
        tpu.wait_dma2 semaphore(%run_scoped3A : memref<!tpu.dma_semaphore, #tpu.memory_space<semaphore_mem>>) src(%dma_wait3A_57 : memref<160x128xi32, #tpu.memory_space<hbm>>) dst(%arg9 : memref<160x128xi32, #tpu.memory_space<vmem>>)
        tpu.yield
      }) : () -> ()
    } else {
    }
    %eq3A_8 = arith.constant 1 : i32
    %eq3A_9 = arith.cmpi eq, %arg0, %eq3A_8 : i32
    %convert_element_type3A_10 = arith.extui %eq3A_9 : i1 to i32
    %cond3A_11 = arith.constant 0 : i32
    %cond3A_12 = arith.cmpi ne, %convert_element_type3A_10, %cond3A_11 : i32
    scf.if %cond3A_12 {
      %mul3A_46 = arith.constant 160 : i32
      %mul3A_47 = arith.muli %arg1, %mul3A_46 : i32
      "tpu.region"() ({
        %run_scoped3A = tpu.sem_alloc : memref<!tpu.dma_semaphore, #tpu.memory_space<semaphore_mem>>
        %dma_start3A_50 = arith.constant 0 : i32
        %dma_start3A_51 = tpu.memref_slice %arg4[%mul3A_47, %dma_start3A_50] : memref<2560x128xi32, #tpu.memory_space<hbm>> -> memref<160x128xi32, #tpu.memory_space<hbm>>
        %dma_start3A_52 = arith.constant 0 : i32
        %dma_start3A_53 = tpu.memref_slice %arg4[%mul3A_47, %dma_start3A_52] : memref<2560x128xi32, #tpu.memory_space<hbm>> -> memref<160x128xi32, #tpu.memory_space<hbm>>
        tpu.enqueue_dma source(%dma_start3A_53 : memref<160x128xi32, #tpu.memory_space<hbm>>) target(%arg8 : memref<160x128xi32, #tpu.memory_space<vmem>>) target_semaphore(%run_scoped3A : memref<!tpu.dma_semaphore, #tpu.memory_space<semaphore_mem>>)
        %dma_wait3A_54 = arith.constant 0 : i32
        %dma_wait3A_55 = tpu.memref_slice %arg4[%mul3A_47, %dma_wait3A_54] : memref<2560x128xi32, #tpu.memory_space<hbm>> -> memref<160x128xi32, #tpu.memory_space<hbm>>
        %dma_wait3A_56 = arith.constant 0 : i32
        %dma_wait3A_57 = tpu.memref_slice %arg4[%mul3A_47, %dma_wait3A_56] : memref<2560x128xi32, #tpu.memory_space<hbm>> -> memref<160x128xi32, #tpu.memory_space<hbm>>
        tpu.wait_dma2 semaphore(%run_scoped3A : memref<!tpu.dma_semaphore, #tpu.memory_space<semaphore_mem>>) src(%dma_wait3A_57 : memref<160x128xi32, #tpu.memory_space<hbm>>) dst(%arg8 : memref<160x128xi32, #tpu.memory_space<vmem>>)
        tpu.yield
      }) : () -> ()
      %mul3A_48 = arith.constant 160 : i32
      %mul3A_49 = arith.muli %arg1, %mul3A_48 : i32
      "tpu.region"() ({
        %run_scoped3A = tpu.sem_alloc : memref<!tpu.dma_semaphore, #tpu.memory_space<semaphore_mem>>
        %dma_start3A_50 = arith.constant 0 : i32
        %dma_start3A_51 = tpu.memref_slice %arg6[%mul3A_49, %dma_start3A_50] : memref<2560x128xi32, #tpu.memory_space<hbm>> -> memref<160x128xi32, #tpu.memory_space<hbm>>
        %dma_start3A_52 = arith.constant 0 : i32
        %dma_start3A_53 = tpu.memref_slice %arg6[%mul3A_49, %dma_start3A_52] : memref<2560x128xi32, #tpu.memory_space<hbm>> -> memref<160x128xi32, #tpu.memory_space<hbm>>
        tpu.enqueue_dma source(%dma_start3A_53 : memref<160x128xi32, #tpu.memory_space<hbm>>) target(%arg9 : memref<160x128xi32, #tpu.memory_space<vmem>>) target_semaphore(%run_scoped3A : memref<!tpu.dma_semaphore, #tpu.memory_space<semaphore_mem>>)
        %dma_wait3A_54 = arith.constant 0 : i32
        %dma_wait3A_55 = tpu.memref_slice %arg6[%mul3A_49, %dma_wait3A_54] : memref<2560x128xi32, #tpu.memory_space<hbm>> -> memref<160x128xi32, #tpu.memory_space<hbm>>
        %dma_wait3A_56 = arith.constant 0 : i32
        %dma_wait3A_57 = tpu.memref_slice %arg6[%mul3A_49, %dma_wait3A_56] : memref<2560x128xi32, #tpu.memory_space<hbm>> -> memref<160x128xi32, #tpu.memory_space<hbm>>
        tpu.wait_dma2 semaphore(%run_scoped3A : memref<!tpu.dma_semaphore, #tpu.memory_space<semaphore_mem>>) src(%dma_wait3A_57 : memref<160x128xi32, #tpu.memory_space<hbm>>) dst(%arg9 : memref<160x128xi32, #tpu.memory_space<vmem>>)
        tpu.yield
      }) : () -> ()
    } else {
    }
    %scan3A_13 = arith.constant 0 : i32
    %scan3A_14 = arith.constant 0 : i32
    %scan3A_15 = arith.constant 8 : i32
    %scan3A_16 = arith.addi %scan3A_14, %scan3A_15 : i32
    %scan3A_17 = arith.constant 1 : i32
    %scan3A_18 = scf.for %scan3A_46 = %scan3A_14 to %scan3A_16 step %scan3A_17 iter_args(%scan3A_47 = %scan3A_13) -> (i32)  : i32 {
      %mul3A_48 = arith.constant 960 : i32
      %mul3A_49 = arith.muli %arg1, %mul3A_48 : i32
      %mul3A_50 = arith.constant 120 : i32
      %mul3A_51 = arith.muli %scan3A_46, %mul3A_50 : i32
      %add3A_52 = arith.addi %mul3A_49, %mul3A_51 : i32
      "tpu.region"() ({
        %run_scoped3A = tpu.sem_alloc : memref<!tpu.dma_semaphore, #tpu.memory_space<semaphore_mem>>
        %dma_start3A_54 = arith.constant 0 : i32
        %dma_start3A_55 = tpu.memref_slice %arg13[%add3A_52, %dma_start3A_54] : memref<15360x64xf32, #tpu.memory_space<vmem_shared>> -> memref<120x64xf32, #tpu.memory_space<vmem_shared>>
        %dma_start3A_56 = arith.constant 0 : i32
        %dma_start3A_57 = tpu.memref_slice %arg13[%add3A_52, %dma_start3A_56] : memref<15360x64xf32, #tpu.memory_space<vmem_shared>> -> memref<120x64xf32, #tpu.memory_space<vmem_shared>>
        tpu.enqueue_dma source(%arg12 : memref<120x64xf32, #tpu.memory_space<vmem>>) target(%dma_start3A_57 : memref<120x64xf32, #tpu.memory_space<vmem_shared>>) target_semaphore(%run_scoped3A : memref<!tpu.dma_semaphore, #tpu.memory_space<semaphore_mem>>)
        %dma_wait3A_58 = arith.constant 0 : i32
        %dma_wait3A_59 = tpu.memref_slice %arg13[%add3A_52, %dma_wait3A_58] : memref<15360x64xf32, #tpu.memory_space<vmem_shared>> -> memref<120x64xf32, #tpu.memory_space<vmem_shared>>
        %dma_wait3A_60 = arith.constant 0 : i32
        %dma_wait3A_61 = tpu.memref_slice %arg13[%add3A_52, %dma_wait3A_60] : memref<15360x64xf32, #tpu.memory_space<vmem_shared>> -> memref<120x64xf32, #tpu.memory_space<vmem_shared>>
        tpu.wait_dma2 semaphore(%run_scoped3A : memref<!tpu.dma_semaphore, #tpu.memory_space<semaphore_mem>>) src(%arg12 : memref<120x64xf32, #tpu.memory_space<vmem>>) dst(%dma_wait3A_61 : memref<120x64xf32, #tpu.memory_space<vmem_shared>>)
        tpu.yield
      }) : () -> ()
      %scan3A_53 = arith.constant 0 : i32
      scf.yield %scan3A_53 : i32
    }
    %scan3A_19 = arith.constant 8 : i32
    %barrier3A = arith.constant 0 : index
    tpu.barrier barrier_id(%barrier3A)
    %dma_start3A = arith.constant 0 : i32
    %dma_start3A_20 = arith.constant 0 : i32
    %dma_start3A_21 = tpu.memref_slice %arg8[%dma_start3A, %dma_start3A_20] : memref<160x128xi32, #tpu.memory_space<vmem>> -> memref<1x128xi32, #tpu.memory_space<vmem>>
    %dma_start3A_22 = tpu.memref_squeeze %dma_start3A_21 : memref<1x128xi32, #tpu.memory_space<vmem>> -> memref<128xi32, #tpu.memory_space<vmem>>
    %dma_start3A_23 = arith.constant 0 : i32
    %dma_start3A_24 = arith.constant 0 : i32
    %dma_start3A_25 = tpu.memref_slice %arg2[%dma_start3A_23, %dma_start3A_24] : memref<30720x64xf32, #tpu.memory_space<hbm>> -> memref<30720x64xf32, #tpu.memory_space<hbm>>
    %dma_start3A_26 = arith.constant 2147483647 : i32
    tpu.enqueue_indirect_dma source(%dma_start3A_25 : memref<30720x64xf32, #tpu.memory_space<hbm>>) target(%arg10 : memref<128x64xf32, #tpu.memory_space<vmem>>) offsets(%dma_start3A_22 : memref<128xi32, #tpu.memory_space<vmem>>) offset_filter(%dma_start3A_26) semaphore(%arg14 : memref<!tpu.dma_semaphore, #tpu.memory_space<semaphore_mem>>)
    %scan3A_27 = arith.constant 0 : i32
    %scan3A_28 = arith.constant 0 : i32
    %scan3A_29 = arith.constant 80 : i32
    %scan3A_30 = arith.addi %scan3A_28, %scan3A_29 : i32
    %scan3A_31 = arith.constant 1 : i32
    %scan3A_32 = scf.for %scan3A_46 = %scan3A_28 to %scan3A_30 step %scan3A_31 iter_args(%scan3A_47 = %scan3A_27) -> (i32)  : i32 {
      %mul3A_48 = arith.constant 2 : i32
      %mul3A_49 = arith.muli %mul3A_48, %scan3A_46 : i32
      %add3A_50 = arith.constant 1 : i32
      %add3A_51 = arith.addi %mul3A_49, %add3A_50 : i32
      %dma_start3A_52 = arith.constant 0 : i32
      %dma_start3A_53 = tpu.memref_slice %arg8[%add3A_51, %dma_start3A_52] : memref<160x128xi32, #tpu.memory_space<vmem>> -> memref<1x128xi32, #tpu.memory_space<vmem>>
      %dma_start3A_54 = tpu.memref_squeeze %dma_start3A_53 : memref<1x128xi32, #tpu.memory_space<vmem>> -> memref<128xi32, #tpu.memory_space<vmem>>
      %dma_start3A_55 = arith.constant 0 : i32
      %dma_start3A_56 = arith.constant 0 : i32
      %dma_start3A_57 = tpu.memref_slice %arg2[%dma_start3A_55, %dma_start3A_56] : memref<30720x64xf32, #tpu.memory_space<hbm>> -> memref<30720x64xf32, #tpu.memory_space<hbm>>
      %dma_start3A_58 = arith.constant 2147483647 : i32
      tpu.enqueue_indirect_dma source(%dma_start3A_57 : memref<30720x64xf32, #tpu.memory_space<hbm>>) target(%arg11 : memref<128x64xf32, #tpu.memory_space<vmem>>) offsets(%dma_start3A_54 : memref<128xi32, #tpu.memory_space<vmem>>) offset_filter(%dma_start3A_58) semaphore(%arg15 : memref<!tpu.dma_semaphore, #tpu.memory_space<semaphore_mem>>)
      %dma_wait3A_59 = arith.constant 0 : i32
      %dma_wait3A_60 = arith.constant 0 : i32
      %dma_wait3A_61 = tpu.memref_slice %arg8[%dma_wait3A_59, %dma_wait3A_60] : memref<160x128xi32, #tpu.memory_space<vmem>> -> memref<1x128xi32, #tpu.memory_space<vmem>>
      %dma_wait3A_62 = tpu.memref_squeeze %dma_wait3A_61 : memref<1x128xi32, #tpu.memory_space<vmem>> -> memref<128xi32, #tpu.memory_space<vmem>>
      %dma_wait3A_63 = arith.constant 0 : i32
      %dma_wait3A_64 = arith.constant 0 : i32
      %dma_wait3A_65 = tpu.memref_slice %arg2[%dma_wait3A_63, %dma_wait3A_64] : memref<30720x64xf32, #tpu.memory_space<hbm>> -> memref<30720x64xf32, #tpu.memory_space<hbm>>
      tpu.wait_indirect_dma semaphore(%arg14 : memref<!tpu.dma_semaphore, #tpu.memory_space<semaphore_mem>>) src(%dma_wait3A_65 : memref<30720x64xf32, #tpu.memory_space<hbm>>) dst(%arg10 : memref<128x64xf32, #tpu.memory_space<vmem>>)
      "tpu.region"() ({
        %run_scoped3A = tpu.sem_alloc : memref<!tpu.dma_semaphore, #tpu.memory_space<semaphore_mem>>
        %dma_start3A_84 = arith.constant 0 : i32
        %dma_start3A_85 = tpu.memref_slice %arg9[%mul3A_49, %dma_start3A_84] : memref<160x128xi32, #tpu.memory_space<vmem>> -> memref<1x128xi32, #tpu.memory_space<vmem>>
        %dma_start3A_86 = tpu.memref_squeeze %dma_start3A_85 : memref<1x128xi32, #tpu.memory_space<vmem>> -> memref<128xi32, #tpu.memory_space<vmem>>
        %dma_start3A_87 = arith.constant 0 : i32
        %dma_start3A_88 = arith.constant 0 : i32
        %dma_start3A_89 = tpu.memref_slice %arg13[%dma_start3A_87, %dma_start3A_88] : memref<15360x64xf32, #tpu.memory_space<vmem_shared>> -> memref<15360x64xf32, #tpu.memory_space<vmem_shared>>
        %dma_start3A_90 = arith.constant 2147483647 : i32
        tpu.enqueue_indirect_dma source(%arg10 : memref<128x64xf32, #tpu.memory_space<vmem>>) target(%dma_start3A_89 : memref<15360x64xf32, #tpu.memory_space<vmem_shared>>) offsets(%dma_start3A_86 : memref<128xi32, #tpu.memory_space<vmem>>) offset_filter(%dma_start3A_90) semaphore(%run_scoped3A : memref<!tpu.dma_semaphore, #tpu.memory_space<semaphore_mem>>) {add = true}
        %dma_wait3A_91 = arith.constant 0 : i32
        %dma_wait3A_92 = tpu.memref_slice %arg9[%mul3A_49, %dma_wait3A_91] : memref<160x128xi32, #tpu.memory_space<vmem>> -> memref<1x128xi32, #tpu.memory_space<vmem>>
        %dma_wait3A_93 = tpu.memref_squeeze %dma_wait3A_92 : memref<1x128xi32, #tpu.memory_space<vmem>> -> memref<128xi32, #tpu.memory_space<vmem>>
        %dma_wait3A_94 = arith.constant 0 : i32
        %dma_wait3A_95 = arith.constant 0 : i32
        %dma_wait3A_96 = tpu.memref_slice %arg13[%dma_wait3A_94, %dma_wait3A_95] : memref<15360x64xf32, #tpu.memory_space<vmem_shared>> -> memref<15360x64xf32, #tpu.memory_space<vmem_shared>>
        tpu.wait_indirect_dma semaphore(%run_scoped3A : memref<!tpu.dma_semaphore, #tpu.memory_space<semaphore_mem>>) src(%arg10 : memref<128x64xf32, #tpu.memory_space<vmem>>) dst(%dma_wait3A_96 : memref<15360x64xf32, #tpu.memory_space<vmem_shared>>)
        tpu.yield
      }) : () -> ()
      %add3A_66 = arith.constant 1 : i32
      %add3A_67 = arith.addi %add3A_51, %add3A_66 : i32
      %min3A = arith.constant 159 : i32
      %min3A_68 = arith.minsi %add3A_67, %min3A : i32
      %dma_start3A_69 = arith.constant 0 : i32
      %dma_start3A_70 = tpu.memref_slice %arg8[%min3A_68, %dma_start3A_69] : memref<160x128xi32, #tpu.memory_space<vmem>> -> memref<1x128xi32, #tpu.memory_space<vmem>>
      %dma_start3A_71 = tpu.memref_squeeze %dma_start3A_70 : memref<1x128xi32, #tpu.memory_space<vmem>> -> memref<128xi32, #tpu.memory_space<vmem>>
      %dma_start3A_72 = arith.constant 0 : i32
      %dma_start3A_73 = arith.constant 0 : i32
      %dma_start3A_74 = tpu.memref_slice %arg2[%dma_start3A_72, %dma_start3A_73] : memref<30720x64xf32, #tpu.memory_space<hbm>> -> memref<30720x64xf32, #tpu.memory_space<hbm>>
      %dma_start3A_75 = arith.constant 2147483647 : i32
      tpu.enqueue_indirect_dma source(%dma_start3A_74 : memref<30720x64xf32, #tpu.memory_space<hbm>>) target(%arg10 : memref<128x64xf32, #tpu.memory_space<vmem>>) offsets(%dma_start3A_71 : memref<128xi32, #tpu.memory_space<vmem>>) offset_filter(%dma_start3A_75) semaphore(%arg14 : memref<!tpu.dma_semaphore, #tpu.memory_space<semaphore_mem>>)
      %dma_wait3A_76 = arith.constant 0 : i32
      %dma_wait3A_77 = arith.constant 0 : i32
      %dma_wait3A_78 = tpu.memref_slice %arg8[%dma_wait3A_76, %dma_wait3A_77] : memref<160x128xi32, #tpu.memory_space<vmem>> -> memref<1x128xi32, #tpu.memory_space<vmem>>
      %dma_wait3A_79 = tpu.memref_squeeze %dma_wait3A_78 : memref<1x128xi32, #tpu.memory_space<vmem>> -> memref<128xi32, #tpu.memory_space<vmem>>
      %dma_wait3A_80 = arith.constant 0 : i32
      %dma_wait3A_81 = arith.constant 0 : i32
      %dma_wait3A_82 = tpu.memref_slice %arg2[%dma_wait3A_80, %dma_wait3A_81] : memref<30720x64xf32, #tpu.memory_space<hbm>> -> memref<30720x64xf32, #tpu.memory_space<hbm>>
      tpu.wait_indirect_dma semaphore(%arg15 : memref<!tpu.dma_semaphore, #tpu.memory_space<semaphore_mem>>) src(%dma_wait3A_82 : memref<30720x64xf32, #tpu.memory_space<hbm>>) dst(%arg11 : memref<128x64xf32, #tpu.memory_space<vmem>>)
      "tpu.region"() ({
        %run_scoped3A = tpu.sem_alloc : memref<!tpu.dma_semaphore, #tpu.memory_space<semaphore_mem>>
        %dma_start3A_84 = arith.constant 0 : i32
        %dma_start3A_85 = tpu.memref_slice %arg9[%add3A_51, %dma_start3A_84] : memref<160x128xi32, #tpu.memory_space<vmem>> -> memref<1x128xi32, #tpu.memory_space<vmem>>
        %dma_start3A_86 = tpu.memref_squeeze %dma_start3A_85 : memref<1x128xi32, #tpu.memory_space<vmem>> -> memref<128xi32, #tpu.memory_space<vmem>>
        %dma_start3A_87 = arith.constant 0 : i32
        %dma_start3A_88 = arith.constant 0 : i32
        %dma_start3A_89 = tpu.memref_slice %arg13[%dma_start3A_87, %dma_start3A_88] : memref<15360x64xf32, #tpu.memory_space<vmem_shared>> -> memref<15360x64xf32, #tpu.memory_space<vmem_shared>>
        %dma_start3A_90 = arith.constant 2147483647 : i32
        tpu.enqueue_indirect_dma source(%arg11 : memref<128x64xf32, #tpu.memory_space<vmem>>) target(%dma_start3A_89 : memref<15360x64xf32, #tpu.memory_space<vmem_shared>>) offsets(%dma_start3A_86 : memref<128xi32, #tpu.memory_space<vmem>>) offset_filter(%dma_start3A_90) semaphore(%run_scoped3A : memref<!tpu.dma_semaphore, #tpu.memory_space<semaphore_mem>>) {add = true}
        %dma_wait3A_91 = arith.constant 0 : i32
        %dma_wait3A_92 = tpu.memref_slice %arg9[%add3A_51, %dma_wait3A_91] : memref<160x128xi32, #tpu.memory_space<vmem>> -> memref<1x128xi32, #tpu.memory_space<vmem>>
        %dma_wait3A_93 = tpu.memref_squeeze %dma_wait3A_92 : memref<1x128xi32, #tpu.memory_space<vmem>> -> memref<128xi32, #tpu.memory_space<vmem>>
        %dma_wait3A_94 = arith.constant 0 : i32
        %dma_wait3A_95 = arith.constant 0 : i32
        %dma_wait3A_96 = tpu.memref_slice %arg13[%dma_wait3A_94, %dma_wait3A_95] : memref<15360x64xf32, #tpu.memory_space<vmem_shared>> -> memref<15360x64xf32, #tpu.memory_space<vmem_shared>>
        tpu.wait_indirect_dma semaphore(%run_scoped3A : memref<!tpu.dma_semaphore, #tpu.memory_space<semaphore_mem>>) src(%arg11 : memref<128x64xf32, #tpu.memory_space<vmem>>) dst(%dma_wait3A_96 : memref<15360x64xf32, #tpu.memory_space<vmem_shared>>)
        tpu.yield
      }) : () -> ()
      %scan3A_83 = arith.constant 0 : i32
      scf.yield %scan3A_83 : i32
    }
    %scan3A_33 = arith.constant 80 : i32
    %dma_wait3A = arith.constant 0 : i32
    %dma_wait3A_34 = arith.constant 0 : i32
    %dma_wait3A_35 = tpu.memref_slice %arg8[%dma_wait3A, %dma_wait3A_34] : memref<160x128xi32, #tpu.memory_space<vmem>> -> memref<1x128xi32, #tpu.memory_space<vmem>>
    %dma_wait3A_36 = tpu.memref_squeeze %dma_wait3A_35 : memref<1x128xi32, #tpu.memory_space<vmem>> -> memref<128xi32, #tpu.memory_space<vmem>>
    %dma_wait3A_37 = arith.constant 0 : i32
    %dma_wait3A_38 = arith.constant 0 : i32
    %dma_wait3A_39 = tpu.memref_slice %arg2[%dma_wait3A_37, %dma_wait3A_38] : memref<30720x64xf32, #tpu.memory_space<hbm>> -> memref<30720x64xf32, #tpu.memory_space<hbm>>
    tpu.wait_indirect_dma semaphore(%arg14 : memref<!tpu.dma_semaphore, #tpu.memory_space<semaphore_mem>>) src(%dma_wait3A_39 : memref<30720x64xf32, #tpu.memory_space<hbm>>) dst(%arg10 : memref<128x64xf32, #tpu.memory_space<vmem>>)
    %barrier3A_40 = arith.constant 0 : index
    tpu.barrier barrier_id(%barrier3A_40)
    %mul3A = arith.constant 960 : i32
    %mul3A_41 = arith.muli %arg1, %mul3A : i32
    %mul3A_42 = arith.constant 15360 : i32
    %mul3A_43 = arith.muli %arg0, %mul3A_42 : i32
    %mul3A_44 = arith.constant 960 : i32
    %mul3A_45 = arith.muli %arg1, %mul3A_44 : i32
    %add3A = arith.addi %mul3A_43, %mul3A_45 : i32
    "tpu.region"() ({
      %run_scoped3A = tpu.sem_alloc : memref<!tpu.dma_semaphore, #tpu.memory_space<semaphore_mem>>
      %dma_start3A_46 = arith.constant 0 : i32
      %dma_start3A_47 = tpu.memref_slice %arg7[%add3A, %dma_start3A_46] : memref<30720x64xf32, #tpu.memory_space<hbm>> -> memref<960x64xf32, #tpu.memory_space<hbm>>
      %dma_start3A_48 = arith.constant 0 : i32
      %dma_start3A_49 = tpu.memref_slice %arg13[%mul3A_41, %dma_start3A_48] : memref<15360x64xf32, #tpu.memory_space<vmem_shared>> -> memref<960x64xf32, #tpu.memory_space<vmem_shared>>
      tpu.enqueue_dma source(%dma_start3A_49 : memref<960x64xf32, #tpu.memory_space<vmem_shared>>) target(%dma_start3A_47 : memref<960x64xf32, #tpu.memory_space<hbm>>) target_semaphore(%run_scoped3A : memref<!tpu.dma_semaphore, #tpu.memory_space<semaphore_mem>>)
      %dma_wait3A_50 = arith.constant 0 : i32
      %dma_wait3A_51 = tpu.memref_slice %arg7[%add3A, %dma_wait3A_50] : memref<30720x64xf32, #tpu.memory_space<hbm>> -> memref<960x64xf32, #tpu.memory_space<hbm>>
      %dma_wait3A_52 = arith.constant 0 : i32
      %dma_wait3A_53 = tpu.memref_slice %arg13[%mul3A_41, %dma_wait3A_52] : memref<15360x64xf32, #tpu.memory_space<vmem_shared>> -> memref<960x64xf32, #tpu.memory_space<vmem_shared>>
      tpu.wait_dma2 semaphore(%run_scoped3A : memref<!tpu.dma_semaphore, #tpu.memory_space<semaphore_mem>>) src(%dma_wait3A_53 : memref<960x64xf32, #tpu.memory_space<vmem_shared>>) dst(%dma_wait3A_51 : memref<960x64xf32, #tpu.memory_space<hbm>>)
      tpu.yield
    }) : () -> ()
    return
  }
}

module attributes {stable_mosaic.version = 14 : i64} {
  func.func @_thresh_body(%arg0: memref<2500x128xf32, #tpu.memory_space<vmem>>, %arg1: memref<2500x128xi32, #tpu.memory_space<vmem>>, %arg2: memref<2500x128xi32, #tpu.memory_space<vmem>>, %arg3: memref<2500x128xi32, #tpu.memory_space<vmem>>, %arg4: memref<2500x128xi32, #tpu.memory_space<vmem>>, %arg5: memref<2500x128xi32, #tpu.memory_space<vmem>>, %arg6: memref<2500x128xi32, #tpu.memory_space<vmem>>) attributes {dimension_semantics = [], scalar_prefetch = 0 : i64, scratch_operands = 0 : i64, tpu.core_type = #tpu.core_type<tc>} {
    %get3A = arith.constant 0 : index
    %get3A_0 = arith.constant 0 : index
    %get3A_1 = vector.load %arg0[%get3A, %get3A_0] : memref<2500x128xf32, #tpu.memory_space<vmem>>, vector<2500x128xf32>
    %bitcast_convert_type3A = tpu.bitcast %get3A_1 : vector<2500x128xf32> -> vector<2500x128xi32>
    %ge3A = arith.constant -2147483648 : i32
    %ge3A_2 = vector.broadcast %ge3A : i32 to vector<2500x128xi32>
    %ge3A_3 = arith.cmpi uge, %bitcast_convert_type3A, %ge3A_2 : vector<2500x128xi32>
    %sub3A = arith.constant -1 : i32
    %sub3A_4 = vector.broadcast %sub3A : i32 to vector<2500x128xi32>
    %sub3A_5 = arith.subi %sub3A_4, %bitcast_convert_type3A : vector<2500x128xi32>
    %add3A = arith.constant -2147483648 : i32
    %add3A_6 = vector.broadcast %add3A : i32 to vector<2500x128xi32>
    %add3A_7 = arith.addi %bitcast_convert_type3A, %add3A_6 : vector<2500x128xi32>
    %select_n3A = arith.select %ge3A_3, %sub3A_5, %add3A_7 : vector<2500x128xi1>, vector<2500x128xi32>
    %le3A = arith.constant 0.000000e+00 : f32
    %le3A_8 = vector.broadcast %le3A : f32 to vector<2500x128xf32>
    %le3A_9 = arith.cmpf ole, %get3A_1, %le3A_8 : vector<2500x128xf32>
    %convert_element_type3A = arith.extui %le3A_9 : vector<2500x128xi1> to vector<2500x128xi32>
    %reduce_sum3A = vector.shape_cast %convert_element_type3A : vector<2500x128xi32> to vector<1x2500x128xi32>
    %reduce_sum3A_10 = arith.constant dense<0> : vector<1xi32>
    %reduce_sum3A_11 = vector.multi_reduction <add>, %reduce_sum3A, %reduce_sum3A_10 [1, 2] : vector<1x2500x128xi32> to vector<1xi32>
    %reduce_sum3A_12 = vector.shape_cast %reduce_sum3A_11 : vector<1xi32> to vector<1x1x1xi32>
    %reduce_sum3A_13 = vector.extract %reduce_sum3A_12[0, 0, 0] : i32 from vector<1x1x1xi32>
    %sub3A_14 = arith.constant 320000 : i32
    %sub3A_15 = arith.subi %sub3A_14, %reduce_sum3A_13 : i32
    %convert_element_type3A_16 = arith.sitofp %reduce_sum3A_13 : i32 to f32
    %sub3A_17 = arith.constant 1.000000e+00 : f32
    %sub3A_18 = arith.subf %convert_element_type3A_16, %sub3A_17 : f32
    %mul3A = arith.constant 1.000000e-01 : f32
    %mul3A_19 = arith.mulf %mul3A, %sub3A_18 : f32
    %floor3A = math.floor %mul3A_19 : f32
    %sub3A_20 = arith.subf %mul3A_19, %floor3A : f32
    %sub3A_21 = arith.constant 1.000000e+00 : f32
    %sub3A_22 = arith.subf %convert_element_type3A_16, %sub3A_21 : f32
    %jit3A = arith.constant 0.000000e+00 : f32
    %max3A = arith.maximumf %jit3A, %floor3A : f32
    %min3A = arith.minimumf %sub3A_22, %max3A : f32
    %convert_element_type3A_23 = arith.fptosi %min3A : f32 to i32
    %ceil3A = math.ceil %mul3A_19 : f32
    %sub3A_24 = arith.constant 1.000000e+00 : f32
    %sub3A_25 = arith.subf %convert_element_type3A_16, %sub3A_24 : f32
    %jit3A_26 = arith.constant 0.000000e+00 : f32
    %max3A_27 = arith.maximumf %jit3A_26, %ceil3A : f32
    %min3A_28 = arith.minimumf %sub3A_25, %max3A_27 : f32
    %convert_element_type3A_29 = arith.fptosi %min3A_28 : f32 to i32
    %convert_element_type3A_30 = arith.sitofp %sub3A_15 : i32 to f32
    %sub3A_31 = arith.constant 1.000000e+00 : f32
    %sub3A_32 = arith.subf %convert_element_type3A_30, %sub3A_31 : f32
    %mul3A_33 = arith.constant 0.899999976 : f32
    %mul3A_34 = arith.mulf %mul3A_33, %sub3A_32 : f32
    %floor3A_35 = math.floor %mul3A_34 : f32
    %sub3A_36 = arith.subf %mul3A_34, %floor3A_35 : f32
    %sub3A_37 = arith.constant 1.000000e+00 : f32
    %sub3A_38 = arith.subf %convert_element_type3A_30, %sub3A_37 : f32
    %jit3A_39 = arith.constant 0.000000e+00 : f32
    %max3A_40 = arith.maximumf %jit3A_39, %floor3A_35 : f32
    %min3A_41 = arith.minimumf %sub3A_38, %max3A_40 : f32
    %convert_element_type3A_42 = arith.fptosi %min3A_41 : f32 to i32
    %ceil3A_43 = math.ceil %mul3A_34 : f32
    %sub3A_44 = arith.constant 1.000000e+00 : f32
    %sub3A_45 = arith.subf %convert_element_type3A_30, %sub3A_44 : f32
    %jit3A_46 = arith.constant 0.000000e+00 : f32
    %max3A_47 = arith.maximumf %jit3A_46, %ceil3A_43 : f32
    %min3A_48 = arith.minimumf %sub3A_45, %max3A_47 : f32
    %convert_element_type3A_49 = arith.fptosi %min3A_48 : f32 to i32
    %add3A_50 = arith.addi %convert_element_type3A_42, %reduce_sum3A_13 : i32
    %add3A_51 = arith.addi %convert_element_type3A_49, %reduce_sum3A_13 : i32
    %scan3A = arith.constant 0 : i32
    %scan3A_52 = arith.constant 0 : i32
    %scan3A_53 = arith.constant 0 : i32
    %scan3A_54 = arith.constant 0 : i32
    %scan3A_55 = arith.constant -1 : i32
    %scan3A_56 = arith.constant -1 : i32
    %scan3A_57 = arith.constant -1 : i32
    %scan3A_58 = arith.constant -1 : i32
    %scan3A_59 = arith.constant 0 : i32
    %scan3A_60 = arith.constant 32 : i32
    %scan3A_61 = arith.addi %scan3A_59, %scan3A_60 : i32
    %scan3A_62 = arith.constant 1 : i32
    %scan3A_63:8 = scf.for %scan3A_166 = %scan3A_59 to %scan3A_61 step %scan3A_62 iter_args(%scan3A_167 = %scan3A, %scan3A_168 = %scan3A_52, %scan3A_169 = %scan3A_53, %scan3A_170 = %scan3A_54, %scan3A_171 = %scan3A_55, %scan3A_172 = %scan3A_56, %scan3A_173 = %scan3A_57, %scan3A_174 = %scan3A_58) -> (i32, i32, i32, i32, i32, i32, i32, i32)  : i32 {
      %sub3A_175 = arith.subi %scan3A_171, %scan3A_167 : i32
      %jit3A_176 = arith.constant 2 : i32
      %div3A = arith.divui %sub3A_175, %jit3A_176 : i32
      %add3A_177 = arith.addi %scan3A_167, %div3A : i32
      %le3A_178 = vector.broadcast %add3A_177 : i32 to vector<2500x128xi32>
      %le3A_179 = arith.cmpi ule, %select_n3A, %le3A_178 : vector<2500x128xi32>
      %convert_element_type3A_180 = arith.extui %le3A_179 : vector<2500x128xi1> to vector<2500x128xi32>
      %reduce_sum3A_181 = vector.shape_cast %convert_element_type3A_180 : vector<2500x128xi32> to vector<1x2500x128xi32>
      %reduce_sum3A_182 = arith.constant dense<0> : vector<1xi32>
      %reduce_sum3A_183 = vector.multi_reduction <add>, %reduce_sum3A_181, %reduce_sum3A_182 [1, 2] : vector<1x2500x128xi32> to vector<1xi32>
      %reduce_sum3A_184 = vector.shape_cast %reduce_sum3A_183 : vector<1xi32> to vector<1x1x1xi32>
      %reduce_sum3A_185 = vector.extract %reduce_sum3A_184[0, 0, 0] : i32 from vector<1x1x1xi32>
      %add3A_186 = arith.constant 1 : i32
      %add3A_187 = arith.addi %convert_element_type3A_23, %add3A_186 : i32
      %ge3A_188 = arith.cmpi sge, %reduce_sum3A_185, %add3A_187 : i32
      %add3A_189 = arith.constant 1 : i32
      %add3A_190 = arith.addi %add3A_177, %add3A_189 : i32
      %select_n3A_191 = arith.select %ge3A_188, %scan3A_167, %add3A_190 : i32
      %select_n3A_192 = arith.select %ge3A_188, %add3A_177, %scan3A_171 : i32
      %sub3A_193 = arith.subi %scan3A_172, %scan3A_168 : i32
      %jit3A_194 = arith.constant 2 : i32
      %div3A_195 = arith.divui %sub3A_193, %jit3A_194 : i32
      %add3A_196 = arith.addi %scan3A_168, %div3A_195 : i32
      %le3A_197 = vector.broadcast %add3A_196 : i32 to vector<2500x128xi32>
      %le3A_198 = arith.cmpi ule, %select_n3A, %le3A_197 : vector<2500x128xi32>
      %convert_element_type3A_199 = arith.extui %le3A_198 : vector<2500x128xi1> to vector<2500x128xi32>
      %reduce_sum3A_200 = vector.shape_cast %convert_element_type3A_199 : vector<2500x128xi32> to vector<1x2500x128xi32>
      %reduce_sum3A_201 = arith.constant dense<0> : vector<1xi32>
      %reduce_sum3A_202 = vector.multi_reduction <add>, %reduce_sum3A_200, %reduce_sum3A_201 [1, 2] : vector<1x2500x128xi32> to vector<1xi32>
      %reduce_sum3A_203 = vector.shape_cast %reduce_sum3A_202 : vector<1xi32> to vector<1x1x1xi32>
      %reduce_sum3A_204 = vector.extract %reduce_sum3A_203[0, 0, 0] : i32 from vector<1x1x1xi32>
      %add3A_205 = arith.constant 1 : i32
      %add3A_206 = arith.addi %convert_element_type3A_29, %add3A_205 : i32
      %ge3A_207 = arith.cmpi sge, %reduce_sum3A_204, %add3A_206 : i32
      %add3A_208 = arith.constant 1 : i32
      %add3A_209 = arith.addi %add3A_196, %add3A_208 : i32
      %select_n3A_210 = arith.select %ge3A_207, %scan3A_168, %add3A_209 : i32
      %select_n3A_211 = arith.select %ge3A_207, %add3A_196, %scan3A_172 : i32
      %sub3A_212 = arith.subi %scan3A_173, %scan3A_169 : i32
      %jit3A_213 = arith.constant 2 : i32
      %div3A_214 = arith.divui %sub3A_212, %jit3A_213 : i32
      %add3A_215 = arith.addi %scan3A_169, %div3A_214 : i32
      %le3A_216 = vector.broadcast %add3A_215 : i32 to vector<2500x128xi32>
      %le3A_217 = arith.cmpi ule, %select_n3A, %le3A_216 : vector<2500x128xi32>
      %convert_element_type3A_218 = arith.extui %le3A_217 : vector<2500x128xi1> to vector<2500x128xi32>
      %reduce_sum3A_219 = vector.shape_cast %convert_element_type3A_218 : vector<2500x128xi32> to vector<1x2500x128xi32>
      %reduce_sum3A_220 = arith.constant dense<0> : vector<1xi32>
      %reduce_sum3A_221 = vector.multi_reduction <add>, %reduce_sum3A_219, %reduce_sum3A_220 [1, 2] : vector<1x2500x128xi32> to vector<1xi32>
      %reduce_sum3A_222 = vector.shape_cast %reduce_sum3A_221 : vector<1xi32> to vector<1x1x1xi32>
      %reduce_sum3A_223 = vector.extract %reduce_sum3A_222[0, 0, 0] : i32 from vector<1x1x1xi32>
      %add3A_224 = arith.constant 1 : i32
      %add3A_225 = arith.addi %add3A_50, %add3A_224 : i32
      %ge3A_226 = arith.cmpi sge, %reduce_sum3A_223, %add3A_225 : i32
      %add3A_227 = arith.constant 1 : i32
      %add3A_228 = arith.addi %add3A_215, %add3A_227 : i32
      %select_n3A_229 = arith.select %ge3A_226, %scan3A_169, %add3A_228 : i32
      %select_n3A_230 = arith.select %ge3A_226, %add3A_215, %scan3A_173 : i32
      %sub3A_231 = arith.subi %scan3A_174, %scan3A_170 : i32
      %jit3A_232 = arith.constant 2 : i32
      %div3A_233 = arith.divui %sub3A_231, %jit3A_232 : i32
      %add3A_234 = arith.addi %scan3A_170, %div3A_233 : i32
      %le3A_235 = vector.broadcast %add3A_234 : i32 to vector<2500x128xi32>
      %le3A_236 = arith.cmpi ule, %select_n3A, %le3A_235 : vector<2500x128xi32>
      %convert_element_type3A_237 = arith.extui %le3A_236 : vector<2500x128xi1> to vector<2500x128xi32>
      %reduce_sum3A_238 = vector.shape_cast %convert_element_type3A_237 : vector<2500x128xi32> to vector<1x2500x128xi32>
      %reduce_sum3A_239 = arith.constant dense<0> : vector<1xi32>
      %reduce_sum3A_240 = vector.multi_reduction <add>, %reduce_sum3A_238, %reduce_sum3A_239 [1, 2] : vector<1x2500x128xi32> to vector<1xi32>
      %reduce_sum3A_241 = vector.shape_cast %reduce_sum3A_240 : vector<1xi32> to vector<1x1x1xi32>
      %reduce_sum3A_242 = vector.extract %reduce_sum3A_241[0, 0, 0] : i32 from vector<1x1x1xi32>
      %add3A_243 = arith.constant 1 : i32
      %add3A_244 = arith.addi %add3A_51, %add3A_243 : i32
      %ge3A_245 = arith.cmpi sge, %reduce_sum3A_242, %add3A_244 : i32
      %add3A_246 = arith.constant 1 : i32
      %add3A_247 = arith.addi %add3A_234, %add3A_246 : i32
      %select_n3A_248 = arith.select %ge3A_245, %scan3A_170, %add3A_247 : i32
      %select_n3A_249 = arith.select %ge3A_245, %add3A_234, %scan3A_174 : i32
      scf.yield %select_n3A_191, %select_n3A_210, %select_n3A_229, %select_n3A_248, %select_n3A_192, %select_n3A_211, %select_n3A_230, %select_n3A_249 : i32, i32, i32, i32, i32, i32, i32, i32
    }
    %ge3A_64 = arith.constant -2147483648 : i32
    %ge3A_65 = arith.cmpi uge, %scan3A_63#0, %ge3A_64 : i32
    %sub3A_66 = arith.constant -2147483648 : i32
    %sub3A_67 = arith.subi %scan3A_63#0, %sub3A_66 : i32
    %sub3A_68 = arith.constant -1 : i32
    %sub3A_69 = arith.subi %sub3A_68, %scan3A_63#0 : i32
    %select_n3A_70 = arith.select %ge3A_65, %sub3A_67, %sub3A_69 : i32
    %bitcast_convert_type3A_71 = arith.bitcast %select_n3A_70 : i32 to f32
    %ge3A_72 = arith.constant -2147483648 : i32
    %ge3A_73 = arith.cmpi uge, %scan3A_63#1, %ge3A_72 : i32
    %sub3A_74 = arith.constant -2147483648 : i32
    %sub3A_75 = arith.subi %scan3A_63#1, %sub3A_74 : i32
    %sub3A_76 = arith.constant -1 : i32
    %sub3A_77 = arith.subi %sub3A_76, %scan3A_63#1 : i32
    %select_n3A_78 = arith.select %ge3A_73, %sub3A_75, %sub3A_77 : i32
    %bitcast_convert_type3A_79 = arith.bitcast %select_n3A_78 : i32 to f32
    %ge3A_80 = arith.constant -2147483648 : i32
    %ge3A_81 = arith.cmpi uge, %scan3A_63#2, %ge3A_80 : i32
    %sub3A_82 = arith.constant -2147483648 : i32
    %sub3A_83 = arith.subi %scan3A_63#2, %sub3A_82 : i32
    %sub3A_84 = arith.constant -1 : i32
    %sub3A_85 = arith.subi %sub3A_84, %scan3A_63#2 : i32
    %select_n3A_86 = arith.select %ge3A_81, %sub3A_83, %sub3A_85 : i32
    %bitcast_convert_type3A_87 = arith.bitcast %select_n3A_86 : i32 to f32
    %ge3A_88 = arith.constant -2147483648 : i32
    %ge3A_89 = arith.cmpi uge, %scan3A_63#3, %ge3A_88 : i32
    %sub3A_90 = arith.constant -2147483648 : i32
    %sub3A_91 = arith.subi %scan3A_63#3, %sub3A_90 : i32
    %sub3A_92 = arith.constant -1 : i32
    %sub3A_93 = arith.subi %sub3A_92, %scan3A_63#3 : i32
    %select_n3A_94 = arith.select %ge3A_89, %sub3A_91, %sub3A_93 : i32
    %bitcast_convert_type3A_95 = arith.bitcast %select_n3A_94 : i32 to f32
    %gt3A = arith.constant 0 : i32
    %gt3A_96 = arith.cmpi sgt, %reduce_sum3A_13, %gt3A : i32
    %sub3A_97 = arith.constant 1.000000e+00 : f32
    %sub3A_98 = arith.subf %sub3A_97, %sub3A_20 : f32
    %mul3A_99 = arith.mulf %bitcast_convert_type3A_71, %sub3A_98 : f32
    %mul3A_100 = arith.mulf %bitcast_convert_type3A_79, %sub3A_20 : f32
    %add3A_101 = arith.addf %mul3A_99, %mul3A_100 : f32
    %jit3A_102 = arith.constant 0.000000e+00 : f32
    %select_n3A_103 = arith.select %gt3A_96, %add3A_101, %jit3A_102 : f32
    %gt3A_104 = arith.constant 0 : i32
    %gt3A_105 = arith.cmpi sgt, %sub3A_15, %gt3A_104 : i32
    %sub3A_106 = arith.constant 1.000000e+00 : f32
    %sub3A_107 = arith.subf %sub3A_106, %sub3A_36 : f32
    %mul3A_108 = arith.mulf %bitcast_convert_type3A_87, %sub3A_107 : f32
    %mul3A_109 = arith.mulf %bitcast_convert_type3A_95, %sub3A_36 : f32
    %add3A_110 = arith.addf %mul3A_108, %mul3A_109 : f32
    %jit3A_111 = arith.constant 0.000000e+00 : f32
    %select_n3A_112 = arith.select %gt3A_105, %add3A_110, %jit3A_111 : f32
    %gt3A_113 = vector.broadcast %select_n3A_112 : f32 to vector<2500x128xf32>
    %gt3A_114 = arith.cmpf ogt, %get3A_1, %gt3A_113 : vector<2500x128xf32>
    %lt3A = vector.broadcast %select_n3A_103 : f32 to vector<2500x128xf32>
    %lt3A_115 = arith.cmpf olt, %get3A_1, %lt3A : vector<2500x128xf32>
    %jit3A_116 = arith.constant 2 : i32
    %jit3A_117 = arith.constant 1 : i32
    %broadcast_in_dim3A = vector.broadcast %jit3A_116 : i32 to vector<2500x128xi32>
    %broadcast_in_dim3A_118 = vector.broadcast %jit3A_117 : i32 to vector<2500x128xi32>
    %select_n3A_119 = arith.select %lt3A_115, %broadcast_in_dim3A, %broadcast_in_dim3A_118 : vector<2500x128xi1>, vector<2500x128xi32>
    %jit3A_120 = arith.constant 0 : i32
    %broadcast_in_dim3A_121 = vector.broadcast %jit3A_120 : i32 to vector<2500x128xi32>
    %select_n3A_122 = arith.select %gt3A_114, %broadcast_in_dim3A_121, %select_n3A_119 : vector<2500x128xi1>, vector<2500x128xi32>
    %mul3A_123 = arith.constant 10000 : i32
    %mul3A_124 = vector.broadcast %mul3A_123 : i32 to vector<2500x128xi32>
    %mul3A_125 = arith.muli %select_n3A_122, %mul3A_124 : vector<2500x128xi32>
    %get3A_126 = arith.constant 0 : index
    %get3A_127 = arith.constant 0 : index
    %get3A_128 = vector.load %arg1[%get3A_126, %get3A_127] : memref<2500x128xi32, #tpu.memory_space<vmem>>, vector<2500x128xi32>
    %add3A_129 = arith.addi %mul3A_125, %get3A_128 : vector<2500x128xi32>
    %mul3A_130 = arith.constant 10000 : i32
    %mul3A_131 = vector.broadcast %mul3A_130 : i32 to vector<2500x128xi32>
    %mul3A_132 = arith.muli %select_n3A_122, %mul3A_131 : vector<2500x128xi32>
    %get3A_133 = arith.constant 0 : index
    %get3A_134 = arith.constant 0 : index
    %get3A_135 = vector.load %arg2[%get3A_133, %get3A_134] : memref<2500x128xi32, #tpu.memory_space<vmem>>, vector<2500x128xi32>
    %add3A_136 = arith.addi %mul3A_132, %get3A_135 : vector<2500x128xi32>
    %lt3A_137 = arith.constant 15360 : i32
    %lt3A_138 = vector.broadcast %lt3A_137 : i32 to vector<2500x128xi32>
    %lt3A_139 = arith.cmpi slt, %add3A_136, %lt3A_138 : vector<2500x128xi32>
    %jit3A_140 = arith.constant 2147483647 : i32
    %broadcast_in_dim3A_141 = vector.broadcast %jit3A_140 : i32 to vector<2500x128xi32>
    %select_n3A_142 = arith.select %lt3A_139, %add3A_129, %broadcast_in_dim3A_141 : vector<2500x128xi1>, vector<2500x128xi32>
    %swap3A = arith.constant 0 : index
    %swap3A_143 = arith.constant 0 : index
    %swap3A_144 = vector.load %arg3[%swap3A, %swap3A_143] : memref<2500x128xi32, #tpu.memory_space<vmem>>, vector<2500x128xi32>
    tpu.vector_store %arg3[%swap3A, %swap3A_143], %select_n3A_142 {strides = array<i32>} : memref<2500x128xi32, #tpu.memory_space<vmem>>, vector<2500x128xi32>,
    %jit3A_145 = arith.constant 2147483647 : i32
    %broadcast_in_dim3A_146 = vector.broadcast %jit3A_145 : i32 to vector<2500x128xi32>
    %select_n3A_147 = arith.select %lt3A_139, %broadcast_in_dim3A_146, %add3A_129 : vector<2500x128xi1>, vector<2500x128xi32>
    %swap3A_148 = arith.constant 0 : index
    %swap3A_149 = arith.constant 0 : index
    %swap3A_150 = vector.load %arg4[%swap3A_148, %swap3A_149] : memref<2500x128xi32, #tpu.memory_space<vmem>>, vector<2500x128xi32>
    tpu.vector_store %arg4[%swap3A_148, %swap3A_149], %select_n3A_147 {strides = array<i32>} : memref<2500x128xi32, #tpu.memory_space<vmem>>, vector<2500x128xi32>,
    %jit3A_151 = arith.constant 2147483647 : i32
    %broadcast_in_dim3A_152 = vector.broadcast %jit3A_151 : i32 to vector<2500x128xi32>
    %select_n3A_153 = arith.select %lt3A_139, %add3A_136, %broadcast_in_dim3A_152 : vector<2500x128xi1>, vector<2500x128xi32>
    %swap3A_154 = arith.constant 0 : index
    %swap3A_155 = arith.constant 0 : index
    %swap3A_156 = vector.load %arg5[%swap3A_154, %swap3A_155] : memref<2500x128xi32, #tpu.memory_space<vmem>>, vector<2500x128xi32>
    tpu.vector_store %arg5[%swap3A_154, %swap3A_155], %select_n3A_153 {strides = array<i32>} : memref<2500x128xi32, #tpu.memory_space<vmem>>, vector<2500x128xi32>,
    %sub3A_157 = arith.constant 15360 : i32
    %sub3A_158 = vector.broadcast %sub3A_157 : i32 to vector<2500x128xi32>
    %sub3A_159 = arith.subi %add3A_136, %sub3A_158 : vector<2500x128xi32>
    %jit3A_160 = arith.constant 2147483647 : i32
    %broadcast_in_dim3A_161 = vector.broadcast %jit3A_160 : i32 to vector<2500x128xi32>
    %select_n3A_162 = arith.select %lt3A_139, %broadcast_in_dim3A_161, %sub3A_159 : vector<2500x128xi1>, vector<2500x128xi32>
    %swap3A_163 = arith.constant 0 : index
    %swap3A_164 = arith.constant 0 : index
    %swap3A_165 = vector.load %arg6[%swap3A_163, %swap3A_164] : memref<2500x128xi32, #tpu.memory_space<vmem>>, vector<2500x128xi32>
    tpu.vector_store %arg6[%swap3A_163, %swap3A_164], %select_n3A_162 {strides = array<i32>} : memref<2500x128xi32, #tpu.memory_space<vmem>>, vector<2500x128xi32>,
    return
  }
}

module attributes {stable_mosaic.version = 14 : i64} {
  func.func @_mlp_body(%arg0: i32, %arg1: memref<1000x128xf32, #tpu.memory_space<vmem>>, %arg2: memref<128x64xf32, #tpu.memory_space<vmem>>, %arg3: memref<1x64xf32, #tpu.memory_space<vmem>>, %arg4: memref<64x64xf32, #tpu.memory_space<vmem>>, %arg5: memref<1x64xf32, #tpu.memory_space<vmem>>, %arg6: memref<1000x64xf32, #tpu.memory_space<vmem>>) attributes {dimension_semantics = [#tpu.dimension_semantics<arbitrary>], iteration_bounds = array<i64: 10>, scalar_prefetch = 0 : i64, scratch_operands = 0 : i64, tpu.core_type = #tpu.core_type<tc>, window_params = [{transform_indices = @transform_0, window_bounds = array<i64: 1000, 128>}, {pipeline_mode = #tpu.pipeline_mode<synchronous>, transform_indices = @transform_1, window_bounds = array<i64: 128, 64>}, {pipeline_mode = #tpu.pipeline_mode<synchronous>, transform_indices = @transform_2, window_bounds = array<i64: 1, 64>}, {pipeline_mode = #tpu.pipeline_mode<synchronous>, transform_indices = @transform_3, window_bounds = array<i64: 64, 64>}, {pipeline_mode = #tpu.pipeline_mode<synchronous>, transform_indices = @transform_4, window_bounds = array<i64: 1, 64>}, {transform_indices = @transform_5, window_bounds = array<i64: 1000, 64>}]} {
    %get3A = arith.constant 0 : index
    %get3A_0 = arith.constant 0 : index
    %get3A_1 = vector.load %arg1[%get3A, %get3A_0] : memref<1000x128xf32, #tpu.memory_space<vmem>>, vector<1000x128xf32>
    %get3A_2 = arith.constant 0 : index
    %get3A_3 = arith.constant 0 : index
    %get3A_4 = vector.load %arg2[%get3A_2, %get3A_3] : memref<128x64xf32, #tpu.memory_space<vmem>>, vector<128x64xf32>
    %dot_general3A = arith.constant dense<0.000000e+00> : vector<1000x64xf32>
    %dot_general3A_5 = tpu.matmul %get3A_1, %get3A_4, %dot_general3A {dimension_numbers = #tpu.dot_dimension_numbers<[1], [0], [0], [1], [0, 0, 1, 1], [], []>, transpose_lhs_hint = false} : vector<1000x128xf32>, vector<128x64xf32>, vector<1000x64xf32> -> vector<1000x64xf32>
    %get3A_6 = arith.constant 0 : index
    %get3A_7 = arith.constant 0 : index
    %get3A_8 = vector.load %arg3[%get3A_6, %get3A_7] : memref<1x64xf32, #tpu.memory_space<vmem>>, vector<1x64xf32>
    %add3A = vector.broadcast %get3A_8 : vector<1x64xf32> to vector<1000x64xf32>
    %add3A_9 = arith.addf %dot_general3A_5, %add3A : vector<1000x64xf32>
    %max3A = arith.constant 0.000000e+00 : f32
    %max3A_10 = vector.broadcast %max3A : f32 to vector<1000x64xf32>
    %max3A_11 = arith.maximumf %add3A_9, %max3A_10 : vector<1000x64xf32>
    %get3A_12 = arith.constant 0 : index
    %get3A_13 = arith.constant 0 : index
    %get3A_14 = vector.load %arg4[%get3A_12, %get3A_13] : memref<64x64xf32, #tpu.memory_space<vmem>>, vector<64x64xf32>
    %dot_general3A_15 = arith.constant dense<0.000000e+00> : vector<1000x64xf32>
    %dot_general3A_16 = tpu.matmul %max3A_11, %get3A_14, %dot_general3A_15 {dimension_numbers = #tpu.dot_dimension_numbers<[1], [0], [0], [1], [0, 0, 1, 1], [], []>, transpose_lhs_hint = false} : vector<1000x64xf32>, vector<64x64xf32>, vector<1000x64xf32> -> vector<1000x64xf32>
    %get3A_17 = arith.constant 0 : index
    %get3A_18 = arith.constant 0 : index
    %get3A_19 = vector.load %arg5[%get3A_17, %get3A_18] : memref<1x64xf32, #tpu.memory_space<vmem>>, vector<1x64xf32>
    %add3A_20 = vector.broadcast %get3A_19 : vector<1x64xf32> to vector<1000x64xf32>
    %add3A_21 = arith.addf %dot_general3A_16, %add3A_20 : vector<1000x64xf32>
    %max3A_22 = arith.constant 0.000000e+00 : f32
    %max3A_23 = vector.broadcast %max3A_22 : f32 to vector<1000x64xf32>
    %max3A_24 = arith.maximumf %add3A_21, %max3A_23 : vector<1000x64xf32>
    %swap3A = arith.constant 0 : index
    %swap3A_25 = arith.constant 0 : index
    %swap3A_26 = vector.load %arg6[%swap3A, %swap3A_25] : memref<1000x64xf32, #tpu.memory_space<vmem>>, vector<1000x64xf32>
    tpu.vector_store %arg6[%swap3A, %swap3A_25], %max3A_24 {strides = array<i32>} : memref<1000x64xf32, #tpu.memory_space<vmem>>, vector<1000x64xf32>,
    return
  }
  func.func @transform_0(%arg0: i32) -> (i32, i32) {
    %c0_i32 = arith.constant 0 : i32
    %c0_i32_0 = arith.constant 0 : i32
    return %arg0, %c0_i32 : i32, i32
  }
  func.func @transform_1(%arg0: i32) -> (i32, i32) {
    %c0_i32 = arith.constant 0 : i32
    %c0_i32_0 = arith.constant 0 : i32
    %c0_i32_1 = arith.constant 0 : i32
    return %c0_i32, %c0_i32_0 : i32, i32
  }
  func.func @transform_2(%arg0: i32) -> (i32, i32) {
    %c0_i32 = arith.constant 0 : i32
    %c0_i32_0 = arith.constant 0 : i32
    %c0_i32_1 = arith.constant 0 : i32
    return %c0_i32, %c0_i32_0 : i32, i32
  }
  func.func @transform_3(%arg0: i32) -> (i32, i32) {
    %c0_i32 = arith.constant 0 : i32
    %c0_i32_0 = arith.constant 0 : i32
    %c0_i32_1 = arith.constant 0 : i32
    return %c0_i32, %c0_i32_0 : i32, i32
  }
  func.func @transform_4(%arg0: i32) -> (i32, i32) {
    %c0_i32 = arith.constant 0 : i32
    %c0_i32_0 = arith.constant 0 : i32
    %c0_i32_1 = arith.constant 0 : i32
    return %c0_i32, %c0_i32_0 : i32, i32
  }
  func.func @transform_5(%arg0: i32) -> (i32, i32) {
    %c0_i32 = arith.constant 0 : i32
    %c0_i32_0 = arith.constant 0 : i32
    return %arg0, %c0_i32 : i32, i32
  }
}

module attributes {stable_mosaic.version = 14 : i64} {
  func.func @_build_body(%arg0: i32, %arg1: i32, %arg2: memref<1000x1xf32, #tpu.memory_space<vmem>>, %arg3: memref<1000x64xf32, #tpu.memory_space<vmem>>, %arg4: memref<1000x64xf32, #tpu.memory_space<vmem>>, %arg5: memref<1000x64xf32, #tpu.memory_space<vmem>>) attributes {dimension_semantics = [#tpu.dimension_semantics<arbitrary>, #tpu.dimension_semantics<arbitrary>], iteration_bounds = array<i64: 3, 10>, scalar_prefetch = 0 : i64, scratch_operands = 0 : i64, tpu.core_type = #tpu.core_type<tc>, window_params = [{transform_indices = @transform_0, window_bounds = array<i64: 1000, 1>}, {transform_indices = @transform_1, window_bounds = array<i64: 1000, 64>}, {transform_indices = @transform_2, window_bounds = array<i64: 1000, 64>}, {transform_indices = @transform_3, window_bounds = array<i64: 1000, 64>}]} {
    %get3A = arith.constant 0 : index
    %get3A_0 = arith.constant 0 : index
    %get3A_1 = vector.load %arg2[%get3A, %get3A_0] : memref<1000x1xf32, #tpu.memory_space<vmem>>, vector<1000x1xf32>
    %max3A = arith.constant 1.000000e+00 : f32
    %max3A_2 = vector.broadcast %max3A : f32 to vector<1000x1xf32>
    %max3A_3 = arith.maximumf %get3A_1, %max3A_2 : vector<1000x1xf32>
    %rsqrt3A = math.rsqrt %max3A_3 : vector<1000x1xf32>
    %get3A_4 = arith.constant 0 : index
    %get3A_5 = arith.constant 0 : index
    %get3A_6 = vector.load %arg3[%get3A_4, %get3A_5] : memref<1000x64xf32, #tpu.memory_space<vmem>>, vector<1000x64xf32>
    %mul3A = vector.broadcast %rsqrt3A : vector<1000x1xf32> to vector<1000x64xf32>
    %mul3A_7 = arith.mulf %get3A_6, %mul3A : vector<1000x64xf32>
    %broadcast_in_dim3A = vector.shape_cast %rsqrt3A : vector<1000x1xf32> to vector<1000x1xf32>
    %broadcast_in_dim3A_8 = vector.broadcast %broadcast_in_dim3A : vector<1000x1xf32> to vector<1000x64xf32>
    %swap3A = arith.constant 0 : index
    %swap3A_9 = arith.constant 0 : index
    %swap3A_10 = vector.load %arg4[%swap3A, %swap3A_9] : memref<1000x64xf32, #tpu.memory_space<vmem>>, vector<1000x64xf32>
    tpu.vector_store %arg4[%swap3A, %swap3A_9], %broadcast_in_dim3A_8 {strides = array<i32>} : memref<1000x64xf32, #tpu.memory_space<vmem>>, vector<1000x64xf32>,
    %swap3A_11 = arith.constant 0 : index
    %swap3A_12 = arith.constant 0 : index
    %swap3A_13 = vector.load %arg5[%swap3A_11, %swap3A_12] : memref<1000x64xf32, #tpu.memory_space<vmem>>, vector<1000x64xf32>
    tpu.vector_store %arg5[%swap3A_11, %swap3A_12], %mul3A_7 {strides = array<i32>} : memref<1000x64xf32, #tpu.memory_space<vmem>>, vector<1000x64xf32>,
    return
  }
  func.func @transform_0(%arg0: i32, %arg1: i32) -> (i32, i32) {
    %mul3A = arith.constant 10 : i32
    %mul3A_0 = arith.muli %arg0, %mul3A : i32
    %add3A = arith.addi %mul3A_0, %arg1 : i32
    %c0_i32 = arith.constant 0 : i32
    %c0_i32_1 = arith.constant 0 : i32
    return %add3A, %c0_i32 : i32, i32
  }
  func.func @transform_1(%arg0: i32, %arg1: i32) -> (i32, i32) {
    %c0_i32 = arith.constant 0 : i32
    %c0_i32_0 = arith.constant 0 : i32
    return %arg1, %c0_i32 : i32, i32
  }
  func.func @transform_2(%arg0: i32, %arg1: i32) -> (i32, i32) {
    %mul3A = arith.constant 10 : i32
    %mul3A_0 = arith.muli %arg0, %mul3A : i32
    %add3A = arith.addi %mul3A_0, %arg1 : i32
    %c0_i32 = arith.constant 0 : i32
    %c0_i32_1 = arith.constant 0 : i32
    return %add3A, %c0_i32 : i32, i32
  }
  func.func @transform_3(%arg0: i32, %arg1: i32) -> (i32, i32) {
    %mul3A = arith.constant 10 : i32
    %mul3A_0 = arith.muli %arg0, %mul3A : i32
    %add3A = arith.addi %mul3A_0, %arg1 : i32
    %c0_i32 = arith.constant 0 : i32
    %c0_i32_1 = arith.constant 0 : i32
    return %add3A, %c0_i32 : i32, i32
  }
}

module attributes {stable_mosaic.version = 14 : i64} {
  func.func @_comb1_body(%arg0: i32, %arg1: i32, %arg2: memref<1000x64xf32, #tpu.memory_space<vmem>>, %arg3: memref<1000x64xf32, #tpu.memory_space<vmem>>, %arg4: memref<1000x64xf32, #tpu.memory_space<vmem>>, %arg5: memref<1000x64xf32, #tpu.memory_space<vmem>>, %arg6: memref<1000x64xf32, #tpu.memory_space<vmem>>) attributes {dimension_semantics = [#tpu.dimension_semantics<arbitrary>, #tpu.dimension_semantics<arbitrary>], iteration_bounds = array<i64: 3, 10>, scalar_prefetch = 0 : i64, scratch_operands = 0 : i64, tpu.core_type = #tpu.core_type<tc>, window_params = [{transform_indices = @transform_0, window_bounds = array<i64: 1000, 64>}, {transform_indices = @transform_1, window_bounds = array<i64: 1000, 64>}, {transform_indices = @transform_2, window_bounds = array<i64: 1000, 64>}, {transform_indices = @transform_3, window_bounds = array<i64: 1000, 64>}, {transform_indices = @transform_4, window_bounds = array<i64: 1000, 64>}]} {
    %get3A = arith.constant 0 : index
    %get3A_0 = arith.constant 0 : index
    %get3A_1 = vector.load %arg4[%get3A, %get3A_0] : memref<1000x64xf32, #tpu.memory_space<vmem>>, vector<1000x64xf32>
    %get3A_2 = arith.constant 0 : index
    %get3A_3 = arith.constant 0 : index
    %get3A_4 = vector.load %arg3[%get3A_2, %get3A_3] : memref<1000x64xf32, #tpu.memory_space<vmem>>, vector<1000x64xf32>
    %get3A_5 = arith.constant 0 : index
    %get3A_6 = arith.constant 0 : index
    %get3A_7 = vector.load %arg2[%get3A_5, %get3A_6] : memref<1000x64xf32, #tpu.memory_space<vmem>>, vector<1000x64xf32>
    %mul3A = arith.mulf %get3A_7, %get3A_1 : vector<1000x64xf32>
    %sub3A = arith.subf %get3A_4, %mul3A : vector<1000x64xf32>
    %swap3A = arith.constant 0 : index
    %swap3A_8 = arith.constant 0 : index
    %swap3A_9 = vector.load %arg5[%swap3A, %swap3A_8] : memref<1000x64xf32, #tpu.memory_space<vmem>>, vector<1000x64xf32>
    tpu.vector_store %arg5[%swap3A, %swap3A_8], %sub3A {strides = array<i32>} : memref<1000x64xf32, #tpu.memory_space<vmem>>, vector<1000x64xf32>,
    %mul3A_10 = arith.mulf %sub3A, %get3A_1 : vector<1000x64xf32>
    %swap3A_11 = arith.constant 0 : index
    %swap3A_12 = arith.constant 0 : index
    %swap3A_13 = vector.load %arg6[%swap3A_11, %swap3A_12] : memref<1000x64xf32, #tpu.memory_space<vmem>>, vector<1000x64xf32>
    tpu.vector_store %arg6[%swap3A_11, %swap3A_12], %mul3A_10 {strides = array<i32>} : memref<1000x64xf32, #tpu.memory_space<vmem>>, vector<1000x64xf32>,
    return
  }
  func.func @transform_0(%arg0: i32, %arg1: i32) -> (i32, i32) {
    %mul3A = arith.constant 10 : i32
    %mul3A_0 = arith.muli %arg0, %mul3A : i32
    %add3A = arith.addi %mul3A_0, %arg1 : i32
    %c0_i32 = arith.constant 0 : i32
    %c0_i32_1 = arith.constant 0 : i32
    return %add3A, %c0_i32 : i32, i32
  }
  func.func @transform_1(%arg0: i32, %arg1: i32) -> (i32, i32) {
    %c0_i32 = arith.constant 0 : i32
    %c0_i32_0 = arith.constant 0 : i32
    return %arg1, %c0_i32 : i32, i32
  }
  func.func @transform_2(%arg0: i32, %arg1: i32) -> (i32, i32) {
    %mul3A = arith.constant 10 : i32
    %mul3A_0 = arith.muli %arg0, %mul3A : i32
    %add3A = arith.addi %mul3A_0, %arg1 : i32
    %c0_i32 = arith.constant 0 : i32
    %c0_i32_1 = arith.constant 0 : i32
    return %add3A, %c0_i32 : i32, i32
  }
  func.func @transform_3(%arg0: i32, %arg1: i32) -> (i32, i32) {
    %mul3A = arith.constant 10 : i32
    %mul3A_0 = arith.muli %arg0, %mul3A : i32
    %add3A = arith.addi %mul3A_0, %arg1 : i32
    %c0_i32 = arith.constant 0 : i32
    %c0_i32_1 = arith.constant 0 : i32
    return %add3A, %c0_i32 : i32, i32
  }
  func.func @transform_4(%arg0: i32, %arg1: i32) -> (i32, i32) {
    %mul3A = arith.constant 10 : i32
    %mul3A_0 = arith.muli %arg0, %mul3A : i32
    %add3A = arith.addi %mul3A_0, %arg1 : i32
    %c0_i32 = arith.constant 0 : i32
    %c0_i32_1 = arith.constant 0 : i32
    return %add3A, %c0_i32 : i32, i32
  }
}

module attributes {stable_mosaic.version = 14 : i64} {
  func.func @_final_body(%arg0: i32, %arg1: memref<1000x64xf32, #tpu.memory_space<vmem>>, %arg2: memref<1000x64xf32, #tpu.memory_space<vmem>>, %arg3: memref<1000x64xf32, #tpu.memory_space<vmem>>, %arg4: memref<1000x64xf32, #tpu.memory_space<vmem>>, %arg5: memref<1000x64xf32, #tpu.memory_space<vmem>>, %arg6: memref<1000x64xf32, #tpu.memory_space<vmem>>, %arg7: memref<1000x64xf32, #tpu.memory_space<vmem>>, %arg8: memref<1000x64xf32, #tpu.memory_space<vmem>>, %arg9: memref<1000x64xf32, #tpu.memory_space<vmem>>, %arg10: memref<1000x64xf32, #tpu.memory_space<vmem>>, %arg11: memref<3x64x64xf32, #tpu.memory_space<vmem>>, %arg12: memref<1x64xf32, #tpu.memory_space<vmem>>, %arg13: memref<1000x64xf32, #tpu.memory_space<vmem>>) attributes {dimension_semantics = [#tpu.dimension_semantics<arbitrary>], iteration_bounds = array<i64: 10>, scalar_prefetch = 0 : i64, scratch_operands = 0 : i64, tpu.core_type = #tpu.core_type<tc>, window_params = [{transform_indices = @transform_0, window_bounds = array<i64: 1000, 64>}, {transform_indices = @transform_1, window_bounds = array<i64: 1000, 64>}, {transform_indices = @transform_2, window_bounds = array<i64: 1000, 64>}, {transform_indices = @transform_3, window_bounds = array<i64: 1000, 64>}, {transform_indices = @transform_4, window_bounds = array<i64: 1000, 64>}, {transform_indices = @transform_5, window_bounds = array<i64: 1000, 64>}, {transform_indices = @transform_6, window_bounds = array<i64: 1000, 64>}, {transform_indices = @transform_7, window_bounds = array<i64: 1000, 64>}, {transform_indices = @transform_8, window_bounds = array<i64: 1000, 64>}, {transform_indices = @transform_9, window_bounds = array<i64: 1000, 64>}, {pipeline_mode = #tpu.pipeline_mode<synchronous>, transform_indices = @transform_10, window_bounds = array<i64: 3, 64, 64>}, {pipeline_mode = #tpu.pipeline_mode<synchronous>, transform_indices = @transform_11, window_bounds = array<i64: 1, 64>}, {transform_indices = @transform_12, window_bounds = array<i64: 1000, 64>}]} {
    %get3A = arith.constant 0 : index
    %get3A_0 = arith.constant 0 : index
    %get3A_1 = vector.load %arg1[%get3A, %get3A_0] : memref<1000x64xf32, #tpu.memory_space<vmem>>, vector<1000x64xf32>
    %get3A_2 = arith.constant 0 : index
    %get3A_3 = arith.constant 0 : index
    %get3A_4 = vector.load %arg12[%get3A_2, %get3A_3] : memref<1x64xf32, #tpu.memory_space<vmem>>, vector<1x64xf32>
    %broadcast_in_dim3A = vector.shape_cast %get3A_4 : vector<1x64xf32> to vector<1x64xf32>
    %broadcast_in_dim3A_5 = vector.broadcast %broadcast_in_dim3A : vector<1x64xf32> to vector<1000x64xf32>
    %get3A_6 = arith.constant 0 : index
    %get3A_7 = arith.constant 0 : index
    %get3A_8 = vector.load %arg2[%get3A_6, %get3A_7] : memref<1000x64xf32, #tpu.memory_space<vmem>>, vector<1000x64xf32>
    %get3A_9 = arith.constant 0 : index
    %get3A_10 = arith.constant 0 : index
    %get3A_11 = vector.load %arg5[%get3A_9, %get3A_10] : memref<1000x64xf32, #tpu.memory_space<vmem>>, vector<1000x64xf32>
    %get3A_12 = arith.constant 0 : index
    %get3A_13 = arith.constant 0 : index
    %get3A_14 = vector.load %arg8[%get3A_12, %get3A_13] : memref<1000x64xf32, #tpu.memory_space<vmem>>, vector<1000x64xf32>
    %mul3A = arith.mulf %get3A_11, %get3A_14 : vector<1000x64xf32>
    %sub3A = arith.subf %get3A_8, %mul3A : vector<1000x64xf32>
    %mul3A_15 = arith.constant 0.000000e+00 : f32
    %mul3A_16 = vector.broadcast %mul3A_15 : f32 to vector<1000x64xf32>
    %mul3A_17 = arith.mulf %mul3A_16, %get3A_1 : vector<1000x64xf32>
    %mul3A_18 = arith.constant 0.000000e+00 : f32
    %mul3A_19 = vector.broadcast %mul3A_18 : f32 to vector<1000x64xf32>
    %mul3A_20 = arith.mulf %mul3A_19, %get3A_8 : vector<1000x64xf32>
    %add3A = arith.addf %mul3A_17, %mul3A_20 : vector<1000x64xf32>
    %mul3A_21 = arith.constant 7.500000e-01 : f32
    %mul3A_22 = vector.broadcast %mul3A_21 : f32 to vector<1000x64xf32>
    %mul3A_23 = arith.mulf %mul3A_22, %sub3A : vector<1000x64xf32>
    %add3A_24 = arith.addf %add3A, %mul3A_23 : vector<1000x64xf32>
    %get3A_25 = arith.constant 0 : index
    %get3A_26 = arith.constant 0 : index
    %get3A_27 = arith.constant 0 : index
    %get3A_28 = vector.load %arg11[%get3A_25, %get3A_26, %get3A_27] : memref<3x64x64xf32, #tpu.memory_space<vmem>>, vector<1x64x64xf32>
    %get3A_29 = vector.shape_cast %get3A_28 : vector<1x64x64xf32> to vector<64x64xf32>
    %dot_general3A = arith.constant dense<0.000000e+00> : vector<1000x64xf32>
    %dot_general3A_30 = tpu.matmul %add3A_24, %get3A_29, %dot_general3A {dimension_numbers = #tpu.dot_dimension_numbers<[1], [0], [0], [1], [0, 0, 1, 1], [], []>, transpose_lhs_hint = false} : vector<1000x64xf32>, vector<64x64xf32>, vector<1000x64xf32> -> vector<1000x64xf32>
    %add3A_31 = arith.addf %broadcast_in_dim3A_5, %dot_general3A_30 : vector<1000x64xf32>
    %get3A_32 = arith.constant 0 : index
    %get3A_33 = arith.constant 0 : index
    %get3A_34 = vector.load %arg3[%get3A_32, %get3A_33] : memref<1000x64xf32, #tpu.memory_space<vmem>>, vector<1000x64xf32>
    %get3A_35 = arith.constant 0 : index
    %get3A_36 = arith.constant 0 : index
    %get3A_37 = vector.load %arg6[%get3A_35, %get3A_36] : memref<1000x64xf32, #tpu.memory_space<vmem>>, vector<1000x64xf32>
    %get3A_38 = arith.constant 0 : index
    %get3A_39 = arith.constant 0 : index
    %get3A_40 = vector.load %arg9[%get3A_38, %get3A_39] : memref<1000x64xf32, #tpu.memory_space<vmem>>, vector<1000x64xf32>
    %mul3A_41 = arith.mulf %get3A_37, %get3A_40 : vector<1000x64xf32>
    %sub3A_42 = arith.subf %get3A_34, %mul3A_41 : vector<1000x64xf32>
    %mul3A_43 = arith.constant 0.000000e+00 : f32
    %mul3A_44 = vector.broadcast %mul3A_43 : f32 to vector<1000x64xf32>
    %mul3A_45 = arith.mulf %mul3A_44, %get3A_1 : vector<1000x64xf32>
    %mul3A_46 = arith.constant 3.000000e+00 : f32
    %mul3A_47 = vector.broadcast %mul3A_46 : f32 to vector<1000x64xf32>
    %mul3A_48 = arith.mulf %mul3A_47, %get3A_34 : vector<1000x64xf32>
    %add3A_49 = arith.addf %mul3A_45, %mul3A_48 : vector<1000x64xf32>
    %mul3A_50 = arith.constant -1.500000e+00 : f32
    %mul3A_51 = vector.broadcast %mul3A_50 : f32 to vector<1000x64xf32>
    %mul3A_52 = arith.mulf %mul3A_51, %sub3A_42 : vector<1000x64xf32>
    %add3A_53 = arith.addf %add3A_49, %mul3A_52 : vector<1000x64xf32>
    %get3A_54 = arith.constant 1 : index
    %get3A_55 = arith.constant 0 : index
    %get3A_56 = arith.constant 0 : index
    %get3A_57 = vector.load %arg11[%get3A_54, %get3A_55, %get3A_56] : memref<3x64x64xf32, #tpu.memory_space<vmem>>, vector<1x64x64xf32>
    %get3A_58 = vector.shape_cast %get3A_57 : vector<1x64x64xf32> to vector<64x64xf32>
    %dot_general3A_59 = arith.constant dense<0.000000e+00> : vector<1000x64xf32>
    %dot_general3A_60 = tpu.matmul %add3A_53, %get3A_58, %dot_general3A_59 {dimension_numbers = #tpu.dot_dimension_numbers<[1], [0], [0], [1], [0, 0, 1, 1], [], []>, transpose_lhs_hint = false} : vector<1000x64xf32>, vector<64x64xf32>, vector<1000x64xf32> -> vector<1000x64xf32>
    %add3A_61 = arith.addf %add3A_31, %dot_general3A_60 : vector<1000x64xf32>
    %get3A_62 = arith.constant 0 : index
    %get3A_63 = arith.constant 0 : index
    %get3A_64 = vector.load %arg4[%get3A_62, %get3A_63] : memref<1000x64xf32, #tpu.memory_space<vmem>>, vector<1000x64xf32>
    %get3A_65 = arith.constant 0 : index
    %get3A_66 = arith.constant 0 : index
    %get3A_67 = vector.load %arg7[%get3A_65, %get3A_66] : memref<1000x64xf32, #tpu.memory_space<vmem>>, vector<1000x64xf32>
    %get3A_68 = arith.constant 0 : index
    %get3A_69 = arith.constant 0 : index
    %get3A_70 = vector.load %arg10[%get3A_68, %get3A_69] : memref<1000x64xf32, #tpu.memory_space<vmem>>, vector<1000x64xf32>
    %mul3A_71 = arith.mulf %get3A_67, %get3A_70 : vector<1000x64xf32>
    %sub3A_72 = arith.subf %get3A_64, %mul3A_71 : vector<1000x64xf32>
    %mul3A_73 = arith.constant 3.000000e+00 : f32
    %mul3A_74 = vector.broadcast %mul3A_73 : f32 to vector<1000x64xf32>
    %mul3A_75 = arith.mulf %mul3A_74, %get3A_1 : vector<1000x64xf32>
    %mul3A_76 = arith.constant -3.000000e+00 : f32
    %mul3A_77 = vector.broadcast %mul3A_76 : f32 to vector<1000x64xf32>
    %mul3A_78 = arith.mulf %mul3A_77, %get3A_64 : vector<1000x64xf32>
    %add3A_79 = arith.addf %mul3A_75, %mul3A_78 : vector<1000x64xf32>
    %mul3A_80 = arith.constant 7.500000e-01 : f32
    %mul3A_81 = vector.broadcast %mul3A_80 : f32 to vector<1000x64xf32>
    %mul3A_82 = arith.mulf %mul3A_81, %sub3A_72 : vector<1000x64xf32>
    %add3A_83 = arith.addf %add3A_79, %mul3A_82 : vector<1000x64xf32>
    %get3A_84 = arith.constant 2 : index
    %get3A_85 = arith.constant 0 : index
    %get3A_86 = arith.constant 0 : index
    %get3A_87 = vector.load %arg11[%get3A_84, %get3A_85, %get3A_86] : memref<3x64x64xf32, #tpu.memory_space<vmem>>, vector<1x64x64xf32>
    %get3A_88 = vector.shape_cast %get3A_87 : vector<1x64x64xf32> to vector<64x64xf32>
    %dot_general3A_89 = arith.constant dense<0.000000e+00> : vector<1000x64xf32>
    %dot_general3A_90 = tpu.matmul %add3A_83, %get3A_88, %dot_general3A_89 {dimension_numbers = #tpu.dot_dimension_numbers<[1], [0], [0], [1], [0, 0, 1, 1], [], []>, transpose_lhs_hint = false} : vector<1000x64xf32>, vector<64x64xf32>, vector<1000x64xf32> -> vector<1000x64xf32>
    %add3A_91 = arith.addf %add3A_61, %dot_general3A_90 : vector<1000x64xf32>
    %max3A = arith.constant 0.000000e+00 : f32
    %max3A_92 = vector.broadcast %max3A : f32 to vector<1000x64xf32>
    %max3A_93 = arith.maximumf %add3A_91, %max3A_92 : vector<1000x64xf32>
    %swap3A = arith.constant 0 : index
    %swap3A_94 = arith.constant 0 : index
    %swap3A_95 = vector.load %arg13[%swap3A, %swap3A_94] : memref<1000x64xf32, #tpu.memory_space<vmem>>, vector<1000x64xf32>
    tpu.vector_store %arg13[%swap3A, %swap3A_94], %max3A_93 {strides = array<i32>} : memref<1000x64xf32, #tpu.memory_space<vmem>>, vector<1000x64xf32>,
    return
  }
  func.func @transform_0(%arg0: i32) -> (i32, i32) {
    %c0_i32 = arith.constant 0 : i32
    %c0_i32_0 = arith.constant 0 : i32
    return %arg0, %c0_i32 : i32, i32
  }
  func.func @transform_1(%arg0: i32) -> (i32, i32) {
    %add3A = arith.constant 0 : i32
    %add3A_0 = arith.addi %add3A, %arg0 : i32
    %c0_i32 = arith.constant 0 : i32
    %c0_i32_1 = arith.constant 0 : i32
    return %add3A_0, %c0_i32 : i32, i32
  }
  func.func @transform_2(%arg0: i32) -> (i32, i32) {
    %add3A = arith.constant 10 : i32
    %add3A_0 = arith.addi %add3A, %arg0 : i32
    %c0_i32 = arith.constant 0 : i32
    %c0_i32_1 = arith.constant 0 : i32
    return %add3A_0, %c0_i32 : i32, i32
  }
  func.func @transform_3(%arg0: i32) -> (i32, i32) {
    %add3A = arith.constant 20 : i32
    %add3A_0 = arith.addi %add3A, %arg0 : i32
    %c0_i32 = arith.constant 0 : i32
    %c0_i32_1 = arith.constant 0 : i32
    return %add3A_0, %c0_i32 : i32, i32
  }
  func.func @transform_4(%arg0: i32) -> (i32, i32) {
    %add3A = arith.constant 0 : i32
    %add3A_0 = arith.addi %add3A, %arg0 : i32
    %c0_i32 = arith.constant 0 : i32
    %c0_i32_1 = arith.constant 0 : i32
    return %add3A_0, %c0_i32 : i32, i32
  }
  func.func @transform_5(%arg0: i32) -> (i32, i32) {
    %add3A = arith.constant 10 : i32
    %add3A_0 = arith.addi %add3A, %arg0 : i32
    %c0_i32 = arith.constant 0 : i32
    %c0_i32_1 = arith.constant 0 : i32
    return %add3A_0, %c0_i32 : i32, i32
  }
  func.func @transform_6(%arg0: i32) -> (i32, i32) {
    %add3A = arith.constant 20 : i32
    %add3A_0 = arith.addi %add3A, %arg0 : i32
    %c0_i32 = arith.constant 0 : i32
    %c0_i32_1 = arith.constant 0 : i32
    return %add3A_0, %c0_i32 : i32, i32
  }
  func.func @transform_7(%arg0: i32) -> (i32, i32) {
    %add3A = arith.constant 0 : i32
    %add3A_0 = arith.addi %add3A, %arg0 : i32
    %c0_i32 = arith.constant 0 : i32
    %c0_i32_1 = arith.constant 0 : i32
    return %add3A_0, %c0_i32 : i32, i32
  }
  func.func @transform_8(%arg0: i32) -> (i32, i32) {
    %add3A = arith.constant 10 : i32
    %add3A_0 = arith.addi %add3A, %arg0 : i32
    %c0_i32 = arith.constant 0 : i32
    %c0_i32_1 = arith.constant 0 : i32
    return %add3A_0, %c0_i32 : i32, i32
  }
  func.func @transform_9(%arg0: i32) -> (i32, i32) {
    %add3A = arith.constant 20 : i32
    %add3A_0 = arith.addi %add3A, %arg0 : i32
    %c0_i32 = arith.constant 0 : i32
    %c0_i32_1 = arith.constant 0 : i32
    return %add3A_0, %c0_i32 : i32, i32
  }
  func.func @transform_10(%arg0: i32) -> (i32, i32, i32) {
    %c0_i32 = arith.constant 0 : i32
    %c0_i32_0 = arith.constant 0 : i32
    %c0_i32_1 = arith.constant 0 : i32
    %c0_i32_2 = arith.constant 0 : i32
    return %c0_i32, %c0_i32_0, %c0_i32_1 : i32, i32, i32
  }
  func.func @transform_11(%arg0: i32) -> (i32, i32) {
    %c0_i32 = arith.constant 0 : i32
    %c0_i32_0 = arith.constant 0 : i32
    %c0_i32_1 = arith.constant 0 : i32
    return %c0_i32, %c0_i32_0 : i32, i32
  }
  func.func @transform_12(%arg0: i32) -> (i32, i32) {
    %c0_i32 = arith.constant 0 : i32
    %c0_i32_0 = arith.constant 0 : i32
    return %arg0, %c0_i32 : i32, i32
  }
}

</mosaic_0001>

<sc_bundles>
// kernel: kernel.10.cloned.1.call-start
scs
__scs_entry_jumppad:
0x0: {  	(pc) =	sbr.rel $0x88, $3  }
0x1: {  	(tag) =	ssettag $0x0;
	lr =	simm.s32 $0x1  }
0x2: {  	[smem:$0x3F98] =	sst lr;
	_ =	strace $0xD0000000  }
0x3: {  	_ = 	snop  }
0x4: {  	_ = 	snop  }
0x5: {  	_ = 	snop  }
0x6: {  	_ = 	snop  }
0x7: {  	_ = 	snop  }
__scs_overlays_trampoline_lowered:
0x8: {  	[smem:$0x3FA7] =	sst s0  }
0x9: {  	[smem:$0x3FA8] =	sst s1  }
0xa: {  	[smem:$0x3FA9] =	sst s2  }
0xb: {  	[smem:$0x3FAA] =	sst s3  }
0xc: {  	[smem:$0x3FAB] =	sst s4  }
0xd: {  	[smem:$0x3FAC] =	sst s5  }
0xe: {  	[smem:$0x3FAD] =	sst s6  }
0xf: {  	[smem:$0x3FAE] =	sst s7  }
0x10: {  	[smem:$0x3FAF] =	sst s8  }
0x11: {  	[smem:$0x3FB0] =	sst s9;
	s0 =	simm.s32 @!p0 $0x0  }
0x12: {  	s1 =	sld [smem:$0x3F96];
	s0 =	simm.s32 @p0 $0x1  }
0x13: {  	[smem:$0x3FB1] =	sst s0;
	s0 =	simm.s32 @!p1 $0x0  }
0x14: {  	s2 =	sld [smem:$0x3F95];
	s0 =	simm.s32 @p1 $0x1  }
0x15: {  	[smem:$0x3FB2] =	sst s0;
	s0 =	simm.s32 @!p2 $0x0  }
0x16: {  	s3 =	sld [smem:$0x3FDB];
	s0 =	simm.s32 @p2 $0x1  }
0x17: {  	s4 =	simm.s32 $0x1BF5;
	[smem:$0x3FB4] =	sst s0  }
0x18: {  	s0 =	sld [smem:$0x3F97];
	_ =	swait.ge [sflag:s4], $0x0  }
0x19: {  	s7 =	sld [smem:$0x3F98]  }
0x1a: {  	s8 =	sadd.s32 $0xFFFFE003, lr  }
0x1b: {  	s9 =	sadd.s32 $0xFFFFFEF7, lr;
	s5 =	simm.s32 $0xFFFFFFFF;
	p2 =	slt.u32 s8, $0xFFFFF086  }
0x1c: {  	p1 =	slt.u32 s9, $0xF7A;
	s5 =	simm.s32 @!p2 $0x0  }
0x1d: {  	s5 =	simm.s32 @p1 $0x1;
	p0 =	seq.s32 s7, s2  }
0x1e: {  	s7 =	smul.u32 @!p0 $0xF7A, s2;
	p2 =	seq.s32 @!p0 s5, $0x0  }
0x1f: {  	s9 =	smul.u32 $0xF7A, s1;
	s8 =	simm.s32 @!p0 $0x1BF5;
	p2 =	por !p2, p0  }
0x20: {  	[sflag:s8] =	ssyncset.s32 @!p0 $0xFFFFF086;
	s6 =	sadd.s32 @!p0 s3, s7;
	s7 =	simm.s32 @!p0 $0x108  }
0x21: {  	s3 =	sadd.s32 s3, s9;
	s6 =	sadd.s32 @!p0 $0x88, s6;
	s7 =	simm.s32 @p2 $0x1082  }
0x22: {  	[simem:s7], [sflag:s8] =	dma.local @!p0 [hbm:s6], $0xF7A  }
0x23: {  	s9 =	sor.u32 $0xD0000000, s2;
	s6 =	simm.s32 $0x108;
	_ =	swait.ge @!p0 [sflag:s8], $0x0  }
0x24: {  	s3 =	sadd.s32 $0x88, s3;
	s6 =	simm.s32 @!p1 $0x1082;
	[sflag:s4] =	ssyncset.s32 $0xFFFFF086  }
0x25: {  	[simem:s6], [sflag:s4] =	dma.local [hbm:s3], $0xF7A  }
0x26: {  	[smem:$0x3F98] =	sst s1;
	(tag) =	ssettag s2;
	_ =	strace s9  }
0x27: {  	s1 =	sld [smem:$0x3FA8]  }
0x28: {  	s2 =	sld [smem:$0x3FA9]  }
0x29: {  	s4 =	sld [smem:$0x3FAB]  }
0x2a: {  	p0 =	seq.s32 s5, $0x0;
	s5 =	sld [smem:$0x3FAC]  }
0x2b: {  	s6 =	sld [smem:$0x3FAD]  }
0x2c: {  	s7 =	sld [smem:$0x3FAE]  }
0x2d: {  	s3 =	simm.s32 $0x108;
	s8 =	sld [smem:$0x3FAF]  }
0x2e: {  	s3 =	simm.s32 @!p0 $0x1082;
	s9 =	sld [smem:$0x3FB0]  }
0x2f: {  	lr =	sadd.s32 s0, s3;
	s0 =	sld [smem:$0x3FA7]  }
0x30: {  	s3 =	sld [smem:$0x3FAA]  }
0x31: {  	[smem:$0x3FB3] =	sst s10  }
0x32: {  	s10 =	sld [smem:$0x3FB1];
	_ =	sdelay $0x3  }
0x33: {  	p0 =	seq.s32 s10, $0x1;
	s10 =	sld [smem:$0x3FB3];
	_ =	sdelay $0x3  }
0x34: {  	[smem:$0x3FB3] =	sst s10  }
0x35: {  	s10 =	sld [smem:$0x3FB2];
	_ =	sdelay $0x3  }
0x36: {  	p1 =	seq.s32 s10, $0x1;
	s10 =	sld [smem:$0x3FB3];
	_ =	sdelay $0x3  }
0x37: {  	[smem:$0x3FB3] =	sst s10  }
0x38: {  	s10 =	sld [smem:$0x3FB4]  }
0x39: {  	_ = 	snop;
	(pc) =	sbr.ind lr, $3  }
0x3a: {  	_ = 	snop  }
0x3b: {  	_ = 	snop  }
0x3c: {  	p2 =	seq.s32 s10, $0x1;
	s10 =	sld [smem:$0x3FB3]  }
0x3d: {  	_ =	shalt  }
0x3e: {  	_ =	shalt  }
0x3f: {  	_ =	shalt  }
0x40: {  	_ =	shalt  }
0x41: {  	_ =	shalt  }
0x42: {  	_ =	shalt  }
0x43: {  	_ =	shalt  }
0x44: {  	_ =	shalt  }
0x45: {  	_ =	shalt  }
0x46: {  	_ =	shalt  }
0x47: {  	_ =	shalt  }
0x48: {  	_ =	shalt  }
0x49: {  	_ =	shalt  }
0x4a: {  	_ =	shalt  }
0x4b: {  	_ =	shalt  }
0x4c: {  	_ =	shalt  }
0x4d: {  	_ =	shalt  }
0x4e: {  	_ =	shalt  }
0x4f: {  	_ =	shalt  }
0x50: {  	_ =	shalt  }
0x51: {  	_ =	shalt  }
0x52: {  	_ =	shalt  }
0x53: {  	_ =	shalt  }
0x54: {  	_ =	shalt  }
0x55: {  	_ =	shalt  }
0x56: {  	_ =	shalt  }
0x57: {  	_ =	shalt  }
0x58: {  	_ =	shalt  }
0x59: {  	_ =	shalt  }
0x5a: {  	_ =	shalt  }
0x5b: {  	_ =	shalt  }
0x5c: {  	_ =	shalt  }
0x5d: {  	_ =	shalt  }
0x5e: {  	_ =	shalt  }
0x5f: {  	_ =	shalt  }
0x60: {  	_ =	shalt  }
0x61: {  	_ =	shalt  }
0x62: {  	_ =	shalt  }
0x63: {  	_ =	shalt  }
0x64: {  	_ =	shalt  }
0x65: {  	_ =	shalt  }
0x66: {  	_ =	shalt  }
0x67: {  	_ =	shalt  }
0x68: {  	_ =	shalt  }
0x69: {  	_ =	shalt  }
0x6a: {  	_ =	shalt  }
0x6b: {  	_ =	shalt  }
0x6c: {  	_ =	shalt  }
0x6d: {  	_ =	shalt  }
0x6e: {  	_ =	shalt  }
0x6f: {  	_ =	shalt  }
0x70: {  	_ =	shalt  }
0x71: {  	_ =	shalt  }
0x72: {  	_ =	shalt  }
0x73: {  	_ =	shalt  }
0x74: {  	_ =	shalt  }
0x75: {  	_ =	shalt  }
0x76: {  	_ =	shalt  }
0x77: {  	_ =	shalt  }
0x78: {  	_ =	shalt  }
0x79: {  	_ =	shalt  }
0x7a: {  	_ =	shalt  }
0x7b: {  	_ =	shalt  }
0x7c: {  	_ =	shalt  }
0x7d: {  	_ =	shalt  }
0x7e: {  	_ =	shalt  }
0x7f: {  	_ =	shalt  }
0x80: {  	_ =	shalt  }
0x81: {  	_ =	shalt  }
0x82: {  	_ =	shalt  }
0x83: {  	_ =	shalt  }
0x84: {  	_ =	shalt  }
0x85: {  	_ =	shalt  }
0x86: {  	_ =	shalt  }
0x87: {  	_ =	shalt  }
.Lfunc_end0:
.L_simem_size_0:
called_computation_lowered:
.L_overlay_start_0:
0x88: {  	s2 =	sld [smem:$0x3FD9]  }
0x89: {  	s3 =	sld [smem:$0x3FFE];
	_ =	sdelay $0x1  }
0x8a: {  	s1 =	srdreg.scid  }
0x8b: {  	s0 =	sand.u32 $0x1, s1  }
0x8c: {  	s17 =	sshll.u32 s0, $0xA;
	s2 =	sadd.s32 s3, s2  }
0x8d: {  	s2 =	sadd.s32 s2, s17  }
0x8e: {  	[smem:$0x3FBF] =	sst s2  }
0x8f: {  	_ = 	snop  }
0x90: {  	s2 =	sld [smem:$0x3FD0];
	(tm) =	ssettm $0x1  }
0x91: {  	s18 =	sld [smem:$0x3FFB];
	_ =	sdelay $0x3  }
0x92: {  	_ =	strace s18  }
0x93: {  	s3 =	sld [smem:$0x3FFC];
	_ =	sdelay $0x3  }
0x94: {  	_ =	strace s3  }
0x95: {  	s3 =	sld [smem:$0x3FFD];
	_ =	sdelay $0x3  }
0x96: {  	_ =	strace s3  }
0x97: {  	_ =	strace $0x8FFFFFFF  }
0x98: {  	s19 =	sld [smem:$0x3FDB];
	_ =	sdelay $0x1  }
0x99: {  	s4 =	simm.s32 $_scs_section_size  }
0x9a: {  	s5 =	simm.s32 $_size__tile_overlayer_lowered;
	s6 =	simm.s32 $_tile_overlayer_lowered  }
0x9b: {  	s22 =	simm.s32 $0x1BFF;
	s21 =	sshll.u32 s6, $0x1;
	s3 =	sadd.s32 s4, s19  }
0x9c: {  	s7 =	simm.s32 $0x0;
	s20 =	sshll.u32 s5, $0x1;
	s5 =	sadd.s32 s21, s3  }
0x9d: {  	[timem:s7], [sflag:s22] =	dma.local [hbm:s5], s20  }
0x9e: {  	_ =	swait.ge [sflag:s22], s20  }
0x9f: {  	s4 =	ssub.s32 $0x0, s20;
	[sflag:s22] =	ssyncset.done $0x0  }
0xa0: {  	[sflag:s22] =	ssyncadd.s32 s4;
	_ =	sdelay $0x1  }
0xa1: {  	s23 =	simm.s32 $0x1B8B  }
0xa2: {  	_ =	swait.ge [sflag:s23], $0x1  }
0xa3: {  	[sflag:s23] =	ssyncset.done $0x0  }
0xa4: {  	s25 =	simm.s32 $0x1B8E;
	s24 =	sld [smem:$0x3FFE];
	[sflag:s23] =	ssyncadd.s32 $0xFFFFFFFF  }
0xa5: {  	s26 =	simm.s32 $execute0_lowered;
	[smem:$0x3FD2] =	sst s25  }
0xa6: {  	s5 =	sshll.u32 s26, $0x1;
	_ =	strace $0x80000046;
	[dreg:$0x1] =	wrdreg $0xFFFFFFFF  }
0xa7: {  	s28 =	simm.s32 $_size_execute0_lowered;
	s3 =	sadd.s32 s3, s5;
	[dreg:$0x0] =	wrdreg $0x0  }
0xa8: {  	s5 =	sshll.u32 s28, $0x1;
	[dreg:$0x2] =	wrdreg s3  }
0xa9: {  	[dreg:$0x3] =	wrdreg s5  }
0xaa: {  	[dreg:$0x4] =	wrdreg $0xC0  }
0xab: {  	_ =	task [dreg:s7], $0x5FFFF  }
0xac: {  	[dreg:$0x1] =	wrdreg $0xFFFFFFFF  }
0xad: {  	[dreg:$0x0] =	wrdreg $0x60  }
0xae: {  	[dreg:$0x2] =	wrdreg s2  }
0xaf: {  	[dreg:$0x3] =	wrdreg s24  }
0xb0: {  	[dreg:$0x4] =	wrdreg $0x54400  }
0xb1: {  	[dreg:$0x5] =	wrdreg $0x9  }
0xb2: {  	_ =	task.clear_ibuf [dreg:s7], $0x6FFFF;
	_ =	strace $0x90000046  }
0xb3: {  	s29 =	simm.s32 $0x9;
	_ =	strace $0x80000048  }
0xb4: {  	_ =	swait.ge [sflag:s29], $0x1  }
0xb5: {  	[sflag:s29] =	ssyncadd.s32 $0xFFFFFFFF  }
0xb6: {  	_ =	strace $0x90000048  }
0xb7: {  	_ =	sfence  }
0xb8: {  	s30 =	sld [smem:$0x0];
	_ =	sdelay $0x2  }
0xb9: {  	s31 =	sshll.u32 s1, $0xD;
	s1 =	sshrl.u32 s1, $0x2  }
0xba: {  	s3 =	sand.u32 $0x4000, s31;
	s1 =	sadd.s32 s1, s30  }
0xbb: {  	s0 =	sor.u32 s3, s0;
	s1 =	sshll.u32 s1, $0x11  }
0xbc: {  	s0 =	sor.u32 s1, s0  }
0xbd: {  	s0 =	sadd.s32 $0x8F2B, s0  }
0xbe: {  	[sflag:s0] =	ssyncadd.remote.s32 $0x1  }
0xbf: {  	_ =	sfence.sel $0xFFFF  }
0xc0: {  	[dreg:$0x0] =	wrdreg $0xFFFFFFFF;
	(pc) =	sbr.abs _section_cstart, $3  }
0xc1: {  	[dreg:$0x1] =	wrdreg $0xFFFFFFFF  }
0xc2: {  	_ =	task.clear_ibuf [dreg:s7], $0x2FFFF;
	_ =	strace $0x9FFFFFFF  }
0xc3: {  	(tm) =	ssettm $0x7FFFFFFF  }
tec
execute0_lowered:
.L_overlay_start_1:
0x0: {  	(tag) =	ssettag $0x1  }
0x1: {  	s7 =	rddreg [dreg:$0x0]  }
0x2: {  	s1 =	srdreg.scid;
	s4 =	rddreg [dreg:$0x1]  }
0x3: {  	s0 =	stileid.u32;
	s2 =	rddreg [dreg:$0x2];
	s3 =	simm.s32 $0x0  }
0x4: {  	s5 =	sand.u32 $0x1, s1;
	s6 =	smul.u32 $0x3C0, s0;
	s1 =	rddreg [dreg:$0x3]  }
0x5: {  	[smem:$0x7FF] =	sst s3;
	s10 =	sadd.s32 $0x2400, s4;
	s11 =	smul.u32 $0xA00, s0  }
0x6: {  	s12 =	sshll.u32 s0, $0x6;
	s8 =	smul.u32 $0x3C00, s5;
	_ =	strace $0x80000047  }
0x7: {  	s9 =	ssub.s32 $0x2, s5;
	p0 =	seq.s32 s5, $0x1;
	s12 =	sor.u32 $0x1C01, s12  }
0x8: {  	s31 =	sshrl.u32 s9, $0x1;
	s7 =	smov.u32 @p0 s10;
	s8 =	sadd.s32 s6, s8  }
0x9: {  	s10 =	simm.s32 $0x80;
	s9 =	ssub.s32 s9, s31;
	s8 =	sshrl.u32 s8, $0x3  }
0xa: {  	s7 =	sadd.s32 s7, s11;
	s11 =	simm.s32 $0x5000;
	s8 =	sadd.s32 s8, s4  }
0xb: {  	s4 =	sadd.s32 s6, s2;
	s6 =	smax.u32 s9, $0x1;
	s9 =	simm.s32 $0x5080  }
0xc: {  	v0 =	vimm.f32 $1.000000000e+00;
	v1 =	vimm.f32 $0.0e+00;
	s5 =	sadd.s32 $0xC400, s8;
	s8 =	simm.s32 $0x1;
	s13 =	sshrl.u32 s4, $0x3  }
.LBB2_1:
0xd: {  	[tilespmem:$0x5000] =	vst v0  }
0xe: {  	[tilespmem:$0x5010] =	vst v0  }
0xf: {  	[tilespmem:$0x5020] =	vst v0  }
0x10: {  	[tilespmem:$0x5030] =	vst v0  }
0x11: {  	[tilespmem:$0x5040] =	vst v0  }
0x12: {  	[tilespmem:$0x5050] =	vst v0  }
0x13: {  	[tilespmem:$0x5060] =	vst v0  }
0x14: {  	[tilespmem:$0x5070] =	vst v0;
	s14 =	simm.s32 $0x40;
	s15 =	simm.s32 $0x0  }
.LBB2_2:
0x15: {  	p0 =	sne.s32 s14, $0xEC0;
	[tilespmem:s15+$0x5080] =	vst v1;
	s15 =	smov.u32 s14;
	s14 =	sadd.s32 $0x40, s14  }
.Ltmp0:
0x16: {  	(pc) =	sbr.rel @p0 .LBB2_2-.Ltmp0, $2  }
0x17: {  	_ =	sdelay $0x2  }
0x18: {  	s15 =	sshra.s32 s15, $0x2  }
0x19: {  	[tilespmem:s15+$0x5080] =	vst v1;
	s14 =	simm.s32 $0x0  }
0x1a: {  	[tilespmem:s14], [sflag:$0x1] =	stream.linear.gather [hbm4b:s7+s14], $0x5000, $0x38;
	[tilespmem:$0x5800] =	vst v63  }
0x1b: {  	_ =	swait.ge [sflag:s8], $0x5000  }
0x1c: {  	[sflag:s8] =	ssyncset.done $0x0  }
0x1d: {  	[sflag:s8] =	ssyncadd.s32 $0xFFFFB000  }
0x1e: {  	[spmem:s4] =	stream.linear.scatter [tilespmem:s9], [sflag:$0x1], $0x3C0, $0x38;
	[tilespmem:$0x5800] =	vst v63  }
0x1f: {  	_ =	swait.ge [sflag:s8], $0x3C0  }
0x20: {  	[sflag:s8] =	ssyncset.done $0x0  }
0x21: {  	[sflag:s8] =	ssyncadd.s32 $0xFFFFFC40  }
0x22: {  	[bflag:$0x0] =	sbarrier.arrive $0xFFFF  }
0x23: {  	s31 =	simm.s32 $0x0;
	(ifvalue) =	ssetifvalue $0x7FFFFFFF  }
0x24: {  	[spmem:s2] =	stream.indirect.scatter.add.f32 [tilespmem:s11], [sflag:$0x1], $0x1, s31, s10, $0x40b8;
	[tilespmem:$0x5800] =	vst v63  }
0x25: {  	_ =	swait.ge [sflag:s8], $0x80  }
0x26: {  	s14 =	simm.s32 $0x200;
	[sflag:s8] =	ssyncset.done $0x0  }
.LBB2_4:
0x27: {  	s15 =	sshra.s32 s14, $0x2  }
0x28: {  	(ifvalue) =	ssetifvalue $0x7FFFFFFF;
	[sflag:s8] =	ssyncadd.s32 $0xFFFFFF80;
	p0 =	sne.s32 s14, $0x13E00  }
0x29: {  	[spmem:s2] =	stream.indirect.scatter.add.f32 [tilespmem:s11], [sflag:$0x1], $0x1, s15, s10, $0x40b8;
	[tilespmem:$0x5800] =	vst v63  }
.Ltmp1:
0x2a: {  	_ = 	snop;
	(pc) =	sbr.rel @p0 .LBB2_4-.Ltmp1, $4  }
0x2b: {  	_ = 	snop  }
0x2c: {  	s14 =	sadd.s32 $0x200, s14  }
0x2d: {  	_ =	swait.ge [sflag:s8], $0x80  }
0x2e: {  	[sflag:s8] =	ssyncset.done $0x0  }
0x2f: {  	s3 =	sadd.s32 $0x1, s3  }
0x30: {  	[sflag:s8] =	ssyncadd.s32 $0xFFFFFF80;
	p0 =	sne.s32 s3, s6  }
.Ltmp2:
0x31: {  	[bflag:$0x0] =	sbarrier.arrive $0xFFFF;
	(pc) =	sbr.rel @p0 .LBB2_1-.Ltmp2, $4  }
0x32: {  	[hbm:s5], [sflag:s12] =	dma.local [spmem:s13], $0x78  }
0x33: {  	_ =	swait.ge [sflag:s8], $0x78  }
0x34: {  	[sflag:s8] =	ssyncset.done $0x0  }
0x35: {  	[sflag:s8] =	ssyncadd.s32 $0xFFFFFF88  }
0x36: {  	_ =	sfence.sel $0x180000  }
0x37: {  	[bflag:$0x0] =	sbarrier.arrive $0xFFFF  }
0x38: {  	p0 =	sne.s32 s0, $0x0;
	_ =	strace $0x90000047  }
0x39: {  	s0 =	sadd.s32 @!p0 $0x100000, s1;
	[bflag:$0x2] =	sbarrier.arrive $0xFFFF  }
0x3a: {  	[sflag:s0] =	ssyncadd.tile.s32 @!p0 $0x1;
	_ =	shalt  }
.Lfunc_end2:
_tile_overlayer_lowered:
.L_overlay_start_2:
0x3b: {  	(tag) =	ssettag $0x2  }
0x3c: {  	s0 =	rddreg [dreg:$0x0];
	s2 =	stileid.u32  }
0x3d: {  	s1 =	rddreg [dreg:$0x1];
	p0 =	sne.s32 s2, $0x0  }
0x3e: {  	s3 =	rddreg [dreg:$0x2];
	[bflag:$0x3] =	sbarrier.arrive $0xFFFF;
	s2 =	simm.s32 @!p0 $0x1C01  }
0x3f: {  	[timem:s3], [sflag:s2] =	dma.local @!p0 [hbm:s0], s1  }
0x40: {  	s0 =	simm.s32 @!p0 $0x1  }
0x41: {  	_ =	swait.ge @!p0 [sflag:s0], s1  }
0x42: {  	s1 =	ssub.s32 @!p0 $0x0, s1;
	[sflag:s0] =	ssyncset.done @!p0 $0x0  }
0x43: {  	[sflag:s0] =	ssyncadd.s32 @!p0 s1  }
0x44: {  	[bflag:$0x3] =	sbarrier.arrive $0xFFFF  }
0x45: {  	_ =	shalt  }

// kernel: kernel.13.cloned.1.call-start
scs
__scs_entry_jumppad:
0x0: {  	(pc) =	sbr.rel $0x88, $3  }
0x1: {  	(tag) =	ssettag $0x0;
	lr =	simm.s32 $0x1  }
0x2: {  	[smem:$0x3F98] =	sst lr;
	_ =	strace $0xD0000000  }
0x3: {  	_ = 	snop  }
0x4: {  	_ = 	snop  }
0x5: {  	_ = 	snop  }
0x6: {  	_ = 	snop  }
0x7: {  	_ = 	snop  }
__scs_overlays_trampoline_lowered:
0x8: {  	[smem:$0x3FA7] =	sst s0  }
0x9: {  	[smem:$0x3FA8] =	sst s1  }
0xa: {  	[smem:$0x3FA9] =	sst s2  }
0xb: {  	[smem:$0x3FAA] =	sst s3  }
0xc: {  	[smem:$0x3FAB] =	sst s4  }
0xd: {  	[smem:$0x3FAC] =	sst s5  }
0xe: {  	[smem:$0x3FAD] =	sst s6  }
0xf: {  	[smem:$0x3FAE] =	sst s7  }
0x10: {  	[smem:$0x3FAF] =	sst s8  }
0x11: {  	[smem:$0x3FB0] =	sst s9;
	s0 =	simm.s32 @!p0 $0x0  }
0x12: {  	s1 =	sld [smem:$0x3F96];
	s0 =	simm.s32 @p0 $0x1  }
0x13: {  	[smem:$0x3FB1] =	sst s0;
	s0 =	simm.s32 @!p1 $0x0  }
0x14: {  	s2 =	sld [smem:$0x3F95];
	s0 =	simm.s32 @p1 $0x1  }
0x15: {  	[smem:$0x3FB2] =	sst s0;
	s0 =	simm.s32 @!p2 $0x0  }
0x16: {  	s3 =	sld [smem:$0x3FDB];
	s0 =	simm.s32 @p2 $0x1  }
0x17: {  	s4 =	simm.s32 $0x1BF5;
	[smem:$0x3FB4] =	sst s0  }
0x18: {  	s0 =	sld [smem:$0x3F97];
	_ =	swait.ge [sflag:s4], $0x0  }
0x19: {  	s7 =	sld [smem:$0x3F98]  }
0x1a: {  	s8 =	sadd.s32 $0xFFFFE003, lr  }
0x1b: {  	s9 =	sadd.s32 $0xFFFFFEF7, lr;
	s5 =	simm.s32 $0xFFFFFFFF;
	p2 =	slt.u32 s8, $0xFFFFF086  }
0x1c: {  	p1 =	slt.u32 s9, $0xF7A;
	s5 =	simm.s32 @!p2 $0x0  }
0x1d: {  	s5 =	simm.s32 @p1 $0x1;
	p0 =	seq.s32 s7, s2  }
0x1e: {  	s7 =	smul.u32 @!p0 $0xF7A, s2;
	p2 =	seq.s32 @!p0 s5, $0x0  }
0x1f: {  	s9 =	smul.u32 $0xF7A, s1;
	s8 =	simm.s32 @!p0 $0x1BF5;
	p2 =	por !p2, p0  }
0x20: {  	[sflag:s8] =	ssyncset.s32 @!p0 $0xFFFFF086;
	s6 =	sadd.s32 @!p0 s3, s7;
	s7 =	simm.s32 @!p0 $0x108  }
0x21: {  	s3 =	sadd.s32 s3, s9;
	s6 =	sadd.s32 @!p0 $0x88, s6;
	s7 =	simm.s32 @p2 $0x1082  }
0x22: {  	[simem:s7], [sflag:s8] =	dma.local @!p0 [hbm:s6], $0xF7A  }
0x23: {  	s9 =	sor.u32 $0xD0000000, s2;
	s6 =	simm.s32 $0x108;
	_ =	swait.ge @!p0 [sflag:s8], $0x0  }
0x24: {  	s3 =	sadd.s32 $0x88, s3;
	s6 =	simm.s32 @!p1 $0x1082;
	[sflag:s4] =	ssyncset.s32 $0xFFFFF086  }
0x25: {  	[simem:s6], [sflag:s4] =	dma.local [hbm:s3], $0xF7A  }
0x26: {  	[smem:$0x3F98] =	sst s1;
	(tag) =	ssettag s2;
	_ =	strace s9  }
0x27: {  	s1 =	sld [smem:$0x3FA8]  }
0x28: {  	s2 =	sld [smem:$0x3FA9]  }
0x29: {  	s4 =	sld [smem:$0x3FAB]  }
0x2a: {  	p0 =	seq.s32 s5, $0x0;
	s5 =	sld [smem:$0x3FAC]  }
0x2b: {  	s6 =	sld [smem:$0x3FAD]  }
0x2c: {  	s7 =	sld [smem:$0x3FAE]  }
0x2d: {  	s3 =	simm.s32 $0x108;
	s8 =	sld [smem:$0x3FAF]  }
0x2e: {  	s3 =	simm.s32 @!p0 $0x1082;
	s9 =	sld [smem:$0x3FB0]  }
0x2f: {  	lr =	sadd.s32 s0, s3;
	s0 =	sld [smem:$0x3FA7]  }
0x30: {  	s3 =	sld [smem:$0x3FAA]  }
0x31: {  	[smem:$0x3FB3] =	sst s10  }
0x32: {  	s10 =	sld [smem:$0x3FB1];
	_ =	sdelay $0x3  }
0x33: {  	p0 =	seq.s32 s10, $0x1;
	s10 =	sld [smem:$0x3FB3];
	_ =	sdelay $0x3  }
0x34: {  	[smem:$0x3FB3] =	sst s10  }
0x35: {  	s10 =	sld [smem:$0x3FB2];
	_ =	sdelay $0x3  }
0x36: {  	p1 =	seq.s32 s10, $0x1;
	s10 =	sld [smem:$0x3FB3];
	_ =	sdelay $0x3  }
0x37: {  	[smem:$0x3FB3] =	sst s10  }
0x38: {  	s10 =	sld [smem:$0x3FB4]  }
0x39: {  	_ = 	snop;
	(pc) =	sbr.ind lr, $3  }
0x3a: {  	_ = 	snop  }
0x3b: {  	_ = 	snop  }
0x3c: {  	p2 =	seq.s32 s10, $0x1;
	s10 =	sld [smem:$0x3FB3]  }
0x3d: {  	_ =	shalt  }
0x3e: {  	_ =	shalt  }
0x3f: {  	_ =	shalt  }
0x40: {  	_ =	shalt  }
0x41: {  	_ =	shalt  }
0x42: {  	_ =	shalt  }
0x43: {  	_ =	shalt  }
0x44: {  	_ =	shalt  }
0x45: {  	_ =	shalt  }
0x46: {  	_ =	shalt  }
0x47: {  	_ =	shalt  }
0x48: {  	_ =	shalt  }
0x49: {  	_ =	shalt  }
0x4a: {  	_ =	shalt  }
0x4b: {  	_ =	shalt  }
0x4c: {  	_ =	shalt  }
0x4d: {  	_ =	shalt  }
0x4e: {  	_ =	shalt  }
0x4f: {  	_ =	shalt  }
0x50: {  	_ =	shalt  }
0x51: {  	_ =	shalt  }
0x52: {  	_ =	shalt  }
0x53: {  	_ =	shalt  }
0x54: {  	_ =	shalt  }
0x55: {  	_ =	shalt  }
0x56: {  	_ =	shalt  }
0x57: {  	_ =	shalt  }
0x58: {  	_ =	shalt  }
0x59: {  	_ =	shalt  }
0x5a: {  	_ =	shalt  }
0x5b: {  	_ =	shalt  }
0x5c: {  	_ =	shalt  }
0x5d: {  	_ =	shalt  }
0x5e: {  	_ =	shalt  }
0x5f: {  	_ =	shalt  }
0x60: {  	_ =	shalt  }
0x61: {  	_ =	shalt  }
0x62: {  	_ =	shalt  }
0x63: {  	_ =	shalt  }
0x64: {  	_ =	shalt  }
0x65: {  	_ =	shalt  }
0x66: {  	_ =	shalt  }
0x67: {  	_ =	shalt  }
0x68: {  	_ =	shalt  }
0x69: {  	_ =	shalt  }
0x6a: {  	_ =	shalt  }
0x6b: {  	_ =	shalt  }
0x6c: {  	_ =	shalt  }
0x6d: {  	_ =	shalt  }
0x6e: {  	_ =	shalt  }
0x6f: {  	_ =	shalt  }
0x70: {  	_ =	shalt  }
0x71: {  	_ =	shalt  }
0x72: {  	_ =	shalt  }
0x73: {  	_ =	shalt  }
0x74: {  	_ =	shalt  }
0x75: {  	_ =	shalt  }
0x76: {  	_ =	shalt  }
0x77: {  	_ =	shalt  }
0x78: {  	_ =	shalt  }
0x79: {  	_ =	shalt  }
0x7a: {  	_ =	shalt  }
0x7b: {  	_ =	shalt  }
0x7c: {  	_ =	shalt  }
0x7d: {  	_ =	shalt  }
0x7e: {  	_ =	shalt  }
0x7f: {  	_ =	shalt  }
0x80: {  	_ =	shalt  }
0x81: {  	_ =	shalt  }
0x82: {  	_ =	shalt  }
0x83: {  	_ =	shalt  }
0x84: {  	_ =	shalt  }
0x85: {  	_ =	shalt  }
0x86: {  	_ =	shalt  }
0x87: {  	_ =	shalt  }
.Lfunc_end0:
.L_simem_size_0:
called_computation.1_lowered:
.L_overlay_start_0:
0x88: {  	s2 =	sld [smem:$0x3FD9]  }
0x89: {  	s3 =	sld [smem:$0x3FFE];
	_ =	sdelay $0x1  }
0x8a: {  	s1 =	srdreg.scid  }
0x8b: {  	s0 =	sand.u32 $0x1, s1  }
0x8c: {  	s17 =	sshll.u32 s0, $0xA;
	s2 =	sadd.s32 s3, s2  }
0x8d: {  	s2 =	sadd.s32 s2, s17  }
0x8e: {  	[smem:$0x3FBF] =	sst s2  }
0x8f: {  	_ = 	snop  }
0x90: {  	s2 =	sld [smem:$0x3FD0];
	(tm) =	ssettm $0x1  }
0x91: {  	s18 =	sld [smem:$0x3FFB];
	_ =	sdelay $0x3  }
0x92: {  	_ =	strace s18  }
0x93: {  	s3 =	sld [smem:$0x3FFC];
	_ =	sdelay $0x3  }
0x94: {  	_ =	strace s3  }
0x95: {  	s3 =	sld [smem:$0x3FFD];
	_ =	sdelay $0x3  }
0x96: {  	_ =	strace s3  }
0x97: {  	_ =	strace $0x8FFFFFFF  }
0x98: {  	s19 =	sld [smem:$0x3FDB];
	_ =	sdelay $0x1  }
0x99: {  	s4 =	simm.s32 $_scs_section_size  }
0x9a: {  	s5 =	simm.s32 $_size__tile_overlayer_lowered;
	s6 =	simm.s32 $_tile_overlayer_lowered  }
0x9b: {  	s22 =	simm.s32 $0x1BFF;
	s21 =	sshll.u32 s6, $0x1;
	s3 =	sadd.s32 s4, s19  }
0x9c: {  	s7 =	simm.s32 $0x0;
	s20 =	sshll.u32 s5, $0x1;
	s5 =	sadd.s32 s21, s3  }
0x9d: {  	[timem:s7], [sflag:s22] =	dma.local [hbm:s5], s20  }
0x9e: {  	_ =	swait.ge [sflag:s22], s20  }
0x9f: {  	s4 =	ssub.s32 $0x0, s20;
	[sflag:s22] =	ssyncset.done $0x0  }
0xa0: {  	[sflag:s22] =	ssyncadd.s32 s4;
	_ =	sdelay $0x1  }
0xa1: {  	s23 =	simm.s32 $0x1B8B  }
0xa2: {  	_ =	swait.ge [sflag:s23], $0x1  }
0xa3: {  	[sflag:s23] =	ssyncset.done $0x0  }
0xa4: {  	s25 =	simm.s32 $0x1B8E;
	s24 =	sld [smem:$0x3FFE];
	[sflag:s23] =	ssyncadd.s32 $0xFFFFFFFF  }
0xa5: {  	s26 =	simm.s32 $execute0_lowered;
	[smem:$0x3FD2] =	sst s25  }
0xa6: {  	s5 =	sshll.u32 s26, $0x1;
	_ =	strace $0x80000049;
	[dreg:$0x1] =	wrdreg $0xFFFFFFFF  }
0xa7: {  	s28 =	simm.s32 $_size_execute0_lowered;
	s3 =	sadd.s32 s3, s5;
	[dreg:$0x0] =	wrdreg $0x0  }
0xa8: {  	s5 =	sshll.u32 s28, $0x1;
	[dreg:$0x2] =	wrdreg s3  }
0xa9: {  	[dreg:$0x3] =	wrdreg s5  }
0xaa: {  	[dreg:$0x4] =	wrdreg $0xC0  }
0xab: {  	_ =	task [dreg:s7], $0x5FFFF  }
0xac: {  	[dreg:$0x1] =	wrdreg $0xFFFFFFFF  }
0xad: {  	[dreg:$0x0] =	wrdreg $0x60  }
0xae: {  	[dreg:$0x2] =	wrdreg s24  }
0xaf: {  	[dreg:$0x3] =	wrdreg s2  }
0xb0: {  	[dreg:$0x4] =	wrdreg $0xFE000  }
0xb1: {  	[dreg:$0x5] =	wrdreg $0x9  }
0xb2: {  	_ =	task.clear_ibuf [dreg:s7], $0x6FFFF;
	_ =	strace $0x90000049  }
0xb3: {  	s29 =	simm.s32 $0x9;
	_ =	strace $0x8000004B  }
0xb4: {  	_ =	swait.ge [sflag:s29], $0x1  }
0xb5: {  	[sflag:s29] =	ssyncadd.s32 $0xFFFFFFFF  }
0xb6: {  	_ =	strace $0x9000004B  }
0xb7: {  	_ =	sfence  }
0xb8: {  	s30 =	sld [smem:$0x0];
	_ =	sdelay $0x2  }
0xb9: {  	s31 =	sshll.u32 s1, $0xD;
	s1 =	sshrl.u32 s1, $0x2  }
0xba: {  	s3 =	sand.u32 $0x4000, s31;
	s1 =	sadd.s32 s1, s30  }
0xbb: {  	s0 =	sor.u32 s3, s0;
	s1 =	sshll.u32 s1, $0x11  }
0xbc: {  	s0 =	sor.u32 s1, s0  }
0xbd: {  	s0 =	sadd.s32 $0x8F2B, s0  }
0xbe: {  	[sflag:s0] =	ssyncadd.remote.s32 $0x1  }
0xbf: {  	_ =	sfence.sel $0xFFFF  }
0xc0: {  	[dreg:$0x0] =	wrdreg $0xFFFFFFFF;
	(pc) =	sbr.abs _section_cstart, $3  }
0xc1: {  	[dreg:$0x1] =	wrdreg $0xFFFFFFFF  }
0xc2: {  	_ =	task.clear_ibuf [dreg:s7], $0x2FFFF;
	_ =	strace $0x9FFFFFFF  }
0xc3: {  	(tm) =	ssettm $0x7FFFFFFF  }
tec
execute0_lowered:
.L_overlay_start_1:
0x0: {  	(tag) =	ssettag $0x1  }
0x1: {  	s0 =	rddreg [dreg:$0x0]  }
0x2: {  	s16 =	rddreg [dreg:$0x1]  }
0x3: {  	s1 =	rddreg [dreg:$0x2];
	s3 =	simm.s32 $0x0;
	s2 =	srdreg.scid  }
0x4: {  	s25 =	stileid.u32;
	s19 =	simm.s32 $0xE000;
	s20 =	simm.s32 $0x80  }
0x5: {  	s21 =	simm.s32 $0xA000;
	s22 =	simm.s32 $0xC000;
	s23 =	simm.s32 $0x1  }
0x6: {  	s24 =	simm.s32 $0x2;
	s28 =	simm.s32 $0x9F80;
	s29 =	simm.s32 $0x0  }
0x7: {  	[smem:$0x7FF] =	sst s3;
	s5 =	sand.u32 $0x1, s2;
	s7 =	smul.u32 $0x1E00, s25  }
0x8: {  	s4 =	sadd.s32 $0x111400, s0;
	s15 =	sadd.s32 $0x17400, s0;
	s8 =	smul.u32 $0x3C000, s25  }
0x9: {  	s14 =	sadd.s32 $0xD400, s0;
	s17 =	sadd.s32 $0x2400, s0;
	s18 =	smul.u32 $0xA00, s25  }
0xa: {  	s25 =	simm.s32 $0x4F80;
	s6 =	smul.u32 $0x1E000, s5;
	s26 =	ssub.s32 $0x2, s5  }
0xb: {  	_ =	strace $0x8000004A;
	p0 =	seq.s32 s5, $0x1;
	s30 =	sshrl.u32 s26, $0x1  }
0xc: {  	s31 =	sshrl.u32 s8, $0x2;
	s15 =	smov.u32 @p0 s14;
	s16 =	smov.u32 @p0 s17  }
0xd: {  	s17 =	simm.s32 $0x3;
	s6 =	sadd.s32 s7, s6;
	s7 =	ssub.s32 s26, s30  }
0xe: {  	s15 =	sadd.s32 s15, s18;
	s16 =	sadd.s32 s16, s18;
	s18 =	simm.s32 $0x5000  }
0xf: {  	s26 =	simm.s32 $0x9F00;
	s0 =	sadd.s32 s6, s0;
	s6 =	sadd.s32 s31, s1  }
0x10: {  	s7 =	smax.u32 s7, $0x1;
	s5 =	sadd.s32 $0x96800, s0;
	s8 =	sadd.s32 $0x1E00, s6  }
0x11: {  	s9 =	sadd.s32 $0x3C00, s6;
	s10 =	sadd.s32 $0x5A00, s6;
	s11 =	sadd.s32 $0x7800, s6  }
0x12: {  	v0 =	vimm.f32 $0.0e+00;
	s12 =	sadd.s32 $0x9600, s6;
	s13 =	sadd.s32 $0xB400, s6;
	s14 =	sadd.s32 $0xD200, s6  }
.LBB2_1:
0x13: {  	s0 =	sand.u32 $0x7F00, s3  }
0x14: {  	s31 =	sand.u32 $0x30, s3;
	s0 =	sshrl.u32 s0, $0x2  }
0x15: {  	s30 =	simm.s32 $0x40;
	s0 =	sor.u32 s31, s0;
	s31 =	simm.s32 $0x0  }
.LBB2_2:
0x16: {  	p0 =	sne.s32 s30, $0x77C0  }
0x17: {  	[tilespmem:s0+$0xE000] =	vst v0;
	s31 =	sadd.s32 $0x10, s31;
	s0 =	smov.u32 s30;
	s30 =	sadd.s32 $0x40, s30  }
.Ltmp0:
0x18: {  	(pc) =	sbr.rel @p0 .LBB2_2-.Ltmp0, $4  }
0x19: {  	_ = 	snop  }
0x1a: {  	s0 =	sand.u32 $0x7F00, s0  }
0x1b: {  	s2 =	sand.u32 $0x30, s31;
	s0 =	sshrl.u32 s0, $0x2  }
0x1c: {  	s0 =	sor.u32 s2, s0  }
0x1d: {  	[tilespmem:s0+$0xE000] =	vst v0;
	s2 =	simm.s32 $0x0  }
0x1e: {  	[tilespmem:s2], [sflag:$0x3] =	stream.linear.gather [hbm4b:s15+s2], $0x5000, $0x38;
	[tilespmem:$0x1EE00] =	vst v63  }
0x1f: {  	_ =	swait.ge [sflag:s17], $0x5000  }
0x20: {  	[sflag:s17] =	ssyncset.done $0x0  }
0x21: {  	[sflag:s17] =	ssyncadd.s32 $0xFFFFB000  }
0x22: {  	[tilespmem:s18], [sflag:$0x3] =	stream.linear.gather [hbm4b:s16+s2], $0x5000, $0x38;
	[tilespmem:$0x1EE00] =	vst v63  }
0x23: {  	_ =	swait.ge [sflag:s17], $0x5000  }
0x24: {  	[sflag:s17] =	ssyncset.done $0x0  }
0x25: {  	[sflag:s17] =	ssyncadd.s32 $0xFFFFB000  }
0x26: {  	[spmem:s6] =	stream.linear.scatter [tilespmem:s19], [sflag:$0x3], $0x1E00, $0x38;
	[tilespmem:$0x1EE00] =	vst v63  }
0x27: {  	_ =	swait.ge [sflag:s17], $0x1E00  }
0x28: {  	[sflag:s17] =	ssyncset.done $0x0  }
0x29: {  	[sflag:s17] =	ssyncadd.s32 $0xFFFFE200  }
0x2a: {  	[spmem:s8] =	stream.linear.scatter [tilespmem:s19], [sflag:$0x3], $0x1E00, $0x38;
	[tilespmem:$0x1EE00] =	vst v63  }
0x2b: {  	_ =	swait.ge [sflag:s17], $0x1E00  }
0x2c: {  	[sflag:s17] =	ssyncset.done $0x0  }
0x2d: {  	[sflag:s17] =	ssyncadd.s32 $0xFFFFE200  }
0x2e: {  	[spmem:s9] =	stream.linear.scatter [tilespmem:s19], [sflag:$0x3], $0x1E00, $0x38;
	[tilespmem:$0x1EE00] =	vst v63  }
0x2f: {  	_ =	swait.ge [sflag:s17], $0x1E00  }
0x30: {  	[sflag:s17] =	ssyncset.done $0x0  }
0x31: {  	[sflag:s17] =	ssyncadd.s32 $0xFFFFE200  }
0x32: {  	[spmem:s10] =	stream.linear.scatter [tilespmem:s19], [sflag:$0x3], $0x1E00, $0x38;
	[tilespmem:$0x1EE00] =	vst v63  }
0x33: {  	_ =	swait.ge [sflag:s17], $0x1E00  }
0x34: {  	[sflag:s17] =	ssyncset.done $0x0  }
0x35: {  	[sflag:s17] =	ssyncadd.s32 $0xFFFFE200  }
0x36: {  	[spmem:s11] =	stream.linear.scatter [tilespmem:s19], [sflag:$0x3], $0x1E00, $0x38;
	[tilespmem:$0x1EE00] =	vst v63  }
0x37: {  	_ =	swait.ge [sflag:s17], $0x1E00  }
0x38: {  	[sflag:s17] =	ssyncset.done $0x0  }
0x39: {  	[sflag:s17] =	ssyncadd.s32 $0xFFFFE200  }
0x3a: {  	[spmem:s12] =	stream.linear.scatter [tilespmem:s19], [sflag:$0x3], $0x1E00, $0x38;
	[tilespmem:$0x1EE00] =	vst v63  }
0x3b: {  	_ =	swait.ge [sflag:s17], $0x1E00  }
0x3c: {  	[sflag:s17] =	ssyncset.done $0x0  }
0x3d: {  	[sflag:s17] =	ssyncadd.s32 $0xFFFFE200  }
0x3e: {  	[spmem:s13] =	stream.linear.scatter [tilespmem:s19], [sflag:$0x3], $0x1E00, $0x38;
	[tilespmem:$0x1EE00] =	vst v63  }
0x3f: {  	_ =	swait.ge [sflag:s17], $0x1E00  }
0x40: {  	[sflag:s17] =	ssyncset.done $0x0  }
0x41: {  	[sflag:s17] =	ssyncadd.s32 $0xFFFFE200  }
0x42: {  	[spmem:s14] =	stream.linear.scatter [tilespmem:s19], [sflag:$0x3], $0x1E00, $0x38;
	[tilespmem:$0x1EE00] =	vst v63  }
0x43: {  	_ =	swait.ge [sflag:s17], $0x1E00  }
0x44: {  	[sflag:s17] =	ssyncset.done $0x0  }
0x45: {  	[sflag:s17] =	ssyncadd.s32 $0xFFFFE200  }
0x46: {  	[bflag:$0x0] =	sbarrier.arrive $0xFFFF  }
0x47: {  	(ifvalue) =	ssetifvalue $0x7FFFFFFF  }
0x48: {  	(ifvalue) =	ssetifvalue $0x7FFFFFFF  }
0x49: {  	[tilespmem:s21], [sflag:$0x1] =	stream.indirect.gather [hbm4b:s4+s20], $0x40, s2, s20, $0x40b8;
	[tilespmem:$0x1EE00] =	vst v63  }
0x4a: {  	(ifvalue) =	ssetifvalue $0x7FFFFFFF  }
0x4b: {  	s2 =	simm.s32 $0x80;
	(ifvalue) =	ssetifvalue $0x7FFFFFFF  }
0x4c: {  	[tilespmem:s22], [sflag:$0x2] =	stream.indirect.gather [hbm4b:s4+s20], $0x40, s2, s20, $0x40b8;
	[tilespmem:$0x1EE00] =	vst v63  }
0x4d: {  	_ =	swait.ge [sflag:s23], $0x2000  }
0x4e: {  	[sflag:s23] =	ssyncset.done $0x0  }
0x4f: {  	s2 =	simm.s32 $0x5000;
	[sflag:s23] =	ssyncadd.s32 $0xFFFFE000;
	(ifvalue) =	ssetifvalue $0x7FFFFFFF  }
0x50: {  	[spmem:s1] =	stream.indirect.scatter.add.f32 [tilespmem:s21], [sflag:$0x3], $0x40, s2, s20, $0x40b8;
	[tilespmem:$0x1EE00] =	vst v63  }
0x51: {  	_ =	swait.ge [sflag:s17], $0x2000  }
0x52: {  	[sflag:s17] =	ssyncset.done $0x0  }
0x53: {  	[sflag:s17] =	ssyncadd.s32 $0xFFFFE000;
	(ifvalue) =	ssetifvalue $0x7FFFFFFF  }
0x54: {  	s2 =	simm.s32 $0x100;
	(ifvalue) =	ssetifvalue $0x7FFFFFFF  }
0x55: {  	[tilespmem:s21], [sflag:$0x1] =	stream.indirect.gather [hbm4b:s4+s20], $0x40, s2, s20, $0x40b8;
	[tilespmem:$0x1EE00] =	vst v63  }
0x56: {  	_ =	swait.ge [sflag:s24], $0x2000  }
0x57: {  	[sflag:s24] =	ssyncset.done $0x0  }
0x58: {  	s2 =	simm.s32 $0x5080;
	[sflag:s24] =	ssyncadd.s32 $0xFFFFE000;
	(ifvalue) =	ssetifvalue $0x7FFFFFFF  }
0x59: {  	[spmem:s1] =	stream.indirect.scatter.add.f32 [tilespmem:s22], [sflag:$0x3], $0x40, s2, s20, $0x40b8;
	[tilespmem:$0x1EE00] =	vst v63  }
0x5a: {  	s31 =	simm.s32 $0x800;
	_ =	swait.ge [sflag:s17], $0x2000  }
0x5b: {  	s30 =	simm.s32 $0x100;
	(ifvalue) =	ssetifvalue $0x7FFFFFFF;
	[sflag:s17] =	ssyncset.done $0x0  }
.LBB2_4:
0x5c: {  	s0 =	sadd.s32 $0x80, s30  }
0x5d: {  	(ifvalue) =	ssetifvalue $0x7FFFFFFF;
	[sflag:s17] =	ssyncadd.s32 $0xFFFFE000;
	s2 =	smov.u32 s31  }
0x5e: {  	[tilespmem:s22], [sflag:$0x2] =	stream.indirect.gather [hbm4b:s4+s20], $0x40, s0, s20, $0x40b8;
	[tilespmem:$0x1EE00] =	vst v63  }
0x5f: {  	p0 =	sne.s32 s31, $0x13800;
	s31 =	sadd.s32 $0x400, s31;
	_ =	swait.ge [sflag:s23], $0x2000  }
0x60: {  	[sflag:s23] =	ssyncset.done $0x0  }
0x61: {  	[sflag:s23] =	ssyncadd.s32 $0xFFFFE000  }
0x62: {  	s0 =	sadd.s32 $0x5000, s30;
	(ifvalue) =	ssetifvalue $0x7FFFFFFF  }
0x63: {  	[spmem:s1] =	stream.indirect.scatter.add.f32 [tilespmem:s21], [sflag:$0x3], $0x40, s0, s20, $0x40b8;
	[tilespmem:$0x1EE00] =	vst v63  }
0x64: {  	_ =	swait.ge [sflag:s17], $0x2000  }
0x65: {  	[sflag:s17] =	ssyncset.done $0x0  }
0x66: {  	[sflag:s17] =	ssyncadd.s32 $0xFFFFE000  }
0x67: {  	(ifvalue) =	ssetifvalue $0x7FFFFFFF  }
0x68: {  	s0 =	sadd.s32 $0x100, s30;
	(ifvalue) =	ssetifvalue $0x7FFFFFFF  }
0x69: {  	[tilespmem:s21], [sflag:$0x1] =	stream.indirect.gather [hbm4b:s4+s20], $0x40, s0, s20, $0x40b8;
	[tilespmem:$0x1EE00] =	vst v63  }
0x6a: {  	_ =	swait.ge [sflag:s24], $0x2000  }
0x6b: {  	[sflag:s24] =	ssyncset.done $0x0  }
.Ltmp1:
0x6c: {  	[sflag:s24] =	ssyncadd.s32 $0xFFFFE000;
	(pc) =	sbr.rel @p0 .LBB2_4-.Ltmp1, $4  }
0x6d: {  	s0 =	sadd.s32 $0x5080, s30;
	(ifvalue) =	ssetifvalue $0x7FFFFFFF  }
0x6e: {  	[spmem:s1] =	stream.indirect.scatter.add.f32 [tilespmem:s22], [sflag:$0x3], $0x40, s0, s20, $0x40b8;
	[tilespmem:$0x1EE00] =	vst v63  }
0x6f: {  	_ =	swait.ge [sflag:s17], $0x2000  }
0x70: {  	s30 =	sshra.s32 s2, $0x2;
	(ifvalue) =	ssetifvalue $0x7FFFFFFF;
	[sflag:s17] =	ssyncset.done $0x0  }
0x71: {  	(ifvalue) =	ssetifvalue $0x7FFFFFFF;
	s0 =	sadd.s32 $0x80, s30;
	[sflag:s17] =	ssyncadd.s32 $0xFFFFE000  }
0x72: {  	[tilespmem:s22], [sflag:$0x2] =	stream.indirect.gather [hbm4b:s4+s20], $0x40, s0, s20, $0x40b8;
	[tilespmem:$0x1EE00] =	vst v63  }
0x73: {  	_ =	swait.ge [sflag:s23], $0x2000  }
0x74: {  	[sflag:s23] =	ssyncset.done $0x0  }
0x75: {  	s31 =	sadd.s32 $0x5000, s30;
	[sflag:s23] =	ssyncadd.s32 $0xFFFFE000;
	(ifvalue) =	ssetifvalue $0x7FFFFFFF  }
0x76: {  	[spmem:s1] =	stream.indirect.scatter.add.f32 [tilespmem:s21], [sflag:$0x3], $0x40, s31, s20, $0x40b8;
	[tilespmem:$0x1EE00] =	vst v63  }
0x77: {  	_ =	swait.ge [sflag:s17], $0x2000  }
0x78: {  	[sflag:s17] =	ssyncset.done $0x0  }
0x79: {  	[sflag:s17] =	ssyncadd.s32 $0xFFFFE000;
	(ifvalue) =	ssetifvalue $0x7FFFFFFF  }
0x7a: {  	s2 =	sadd.s32 $0x100, s30;
	(ifvalue) =	ssetifvalue $0x7FFFFFFF  }
0x7b: {  	[tilespmem:s21], [sflag:$0x1] =	stream.indirect.gather [hbm4b:s4+s20], $0x40, s2, s20, $0x40b8;
	[tilespmem:$0x1EE00] =	vst v63  }
0x7c: {  	_ =	swait.ge [sflag:s24], $0x2000  }
0x7d: {  	[sflag:s24] =	ssyncset.done $0x0  }
0x7e: {  	s30 =	sadd.s32 $0x5080, s30;
	[sflag:s24] =	ssyncadd.s32 $0xFFFFE000;
	(ifvalue) =	ssetifvalue $0x7FFFFFFF  }
0x7f: {  	[spmem:s1] =	stream.indirect.scatter.add.f32 [tilespmem:s22], [sflag:$0x3], $0x40, s30, s20, $0x40b8;
	[tilespmem:$0x1EE00] =	vst v63  }
0x80: {  	_ =	swait.ge [sflag:s17], $0x2000  }
0x81: {  	[sflag:s17] =	ssyncset.done $0x0  }
0x82: {  	[sflag:s17] =	ssyncadd.s32 $0xFFFFE000;
	(ifvalue) =	ssetifvalue $0x7FFFFFFF  }
0x83: {  	(ifvalue) =	ssetifvalue $0x7FFFFFFF  }
0x84: {  	[tilespmem:s22], [sflag:$0x2] =	stream.indirect.gather [hbm4b:s4+s20], $0x40, s25, s20, $0x40b8;
	[tilespmem:$0x1EE00] =	vst v63  }
0x85: {  	_ =	swait.ge [sflag:s23], $0x2000  }
0x86: {  	[sflag:s23] =	ssyncset.done $0x0  }
0x87: {  	[sflag:s23] =	ssyncadd.s32 $0xFFFFE000;
	(ifvalue) =	ssetifvalue $0x7FFFFFFF  }
0x88: {  	[spmem:s1] =	stream.indirect.scatter.add.f32 [tilespmem:s21], [sflag:$0x3], $0x40, s26, s20, $0x40b8;
	[tilespmem:$0x1EE00] =	vst v63  }
0x89: {  	_ =	swait.ge [sflag:s17], $0x2000  }
0x8a: {  	[sflag:s17] =	ssyncset.done $0x0  }
0x8b: {  	[sflag:s17] =	ssyncadd.s32 $0xFFFFE000;
	(ifvalue) =	ssetifvalue $0x7FFFFFFF  }
0x8c: {  	(ifvalue) =	ssetifvalue $0x7FFFFFFF  }
0x8d: {  	[tilespmem:s21], [sflag:$0x1] =	stream.indirect.gather [hbm4b:s4+s20], $0x40, s25, s20, $0x40b8;
	[tilespmem:$0x1EE00] =	vst v63  }
0x8e: {  	_ =	swait.ge [sflag:s24], $0x2000  }
0x8f: {  	[sflag:s24] =	ssyncset.done $0x0  }
0x90: {  	[sflag:s24] =	ssyncadd.s32 $0xFFFFE000;
	(ifvalue) =	ssetifvalue $0x7FFFFFFF  }
0x91: {  	[spmem:s1] =	stream.indirect.scatter.add.f32 [tilespmem:s22], [sflag:$0x3], $0x40, s28, s20, $0x40b8;
	[tilespmem:$0x1EE00] =	vst v63  }
0x92: {  	_ =	swait.ge [sflag:s17], $0x2000  }
0x93: {  	[sflag:s17] =	ssyncset.done $0x0  }
0x94: {  	[sflag:s17] =	ssyncadd.s32 $0xFFFFE000  }
0x95: {  	s31 =	stileid.u32;
	_ =	swait.ge [sflag:s23], $0x2000  }
0x96: {  	s29 =	sadd.s32 $0x1, s29;
	s0 =	sshll.u32 s31, $0x6;
	[sflag:s23] =	ssyncset.done $0x0  }
0x97: {  	p0 =	sne.s32 s29, s7;
	s0 =	sor.u32 $0x1C03, s0;
	[sflag:s23] =	ssyncadd.s32 $0xFFFFE000  }
.Ltmp2:
0x98: {  	s2 =	sshrl.u32 s6, $0x3;
	[bflag:$0x0] =	sbarrier.arrive $0xFFFF;
	(pc) =	sbr.rel @p0 .LBB2_1-.Ltmp2, $4  }
0x99: {  	[hbm:s5], [sflag:s0] =	dma.local [spmem:s2], $0x1E00  }
0x9a: {  	_ =	swait.ge [sflag:s17], $0x1E00  }
0x9b: {  	[sflag:s17] =	ssyncset.done $0x0  }
0x9c: {  	[sflag:s17] =	ssyncadd.s32 $0xFFFFE200  }
0x9d: {  	_ =	sfence.sel $0x180000  }
0x9e: {  	[bflag:$0x0] =	sbarrier.arrive $0xFFFF  }
0x9f: {  	_ =	strace $0x9000004A  }
0xa0: {  	s0 =	stileid.u32;
	[bflag:$0x2] =	sbarrier.arrive $0xFFFF  }
0xa1: {  	p0 =	sne.s32 s0, $0x0;
	s0 =	rddreg [dreg:$0x3]  }
0xa2: {  	s0 =	sadd.s32 @!p0 $0x100000, s0  }
0xa3: {  	[sflag:s0] =	ssyncadd.tile.s32 @!p0 $0x1;
	_ =	shalt  }
.Lfunc_end2:
_tile_overlayer_lowered:
.L_overlay_start_2:
0xa4: {  	(tag) =	ssettag $0x2  }
0xa5: {  	s0 =	rddreg [dreg:$0x0];
	s2 =	stileid.u32  }
0xa6: {  	s1 =	rddreg [dreg:$0x1];
	p0 =	sne.s32 s2, $0x0  }
0xa7: {  	s3 =	rddreg [dreg:$0x2];
	[bflag:$0x3] =	sbarrier.arrive $0xFFFF;
	s2 =	simm.s32 @!p0 $0x1C03  }
0xa8: {  	[timem:s3], [sflag:s2] =	dma.local @!p0 [hbm:s0], s1  }
0xa9: {  	s0 =	simm.s32 @!p0 $0x3  }
0xaa: {  	_ =	swait.ge @!p0 [sflag:s0], s1  }
0xab: {  	s1 =	ssub.s32 @!p0 $0x0, s1;
	[sflag:s0] =	ssyncset.done @!p0 $0x0  }
0xac: {  	[sflag:s0] =	ssyncadd.s32 @!p0 s1  }
0xad: {  	[bflag:$0x3] =	sbarrier.arrive $0xFFFF  }
0xae: {  	_ =	shalt  }

// kernel: kernel.16.cloned.1.call-start
scs
__scs_entry_jumppad:
0x0: {  	(pc) =	sbr.rel $0x88, $3  }
0x1: {  	(tag) =	ssettag $0x0;
	lr =	simm.s32 $0x1  }
0x2: {  	[smem:$0x3F98] =	sst lr;
	_ =	strace $0xD0000000  }
0x3: {  	_ = 	snop  }
0x4: {  	_ = 	snop  }
0x5: {  	_ = 	snop  }
0x6: {  	_ = 	snop  }
0x7: {  	_ = 	snop  }
__scs_overlays_trampoline_lowered:
0x8: {  	[smem:$0x3FA7] =	sst s0  }
0x9: {  	[smem:$0x3FA8] =	sst s1  }
0xa: {  	[smem:$0x3FA9] =	sst s2  }
0xb: {  	[smem:$0x3FAA] =	sst s3  }
0xc: {  	[smem:$0x3FAB] =	sst s4  }
0xd: {  	[smem:$0x3FAC] =	sst s5  }
0xe: {  	[smem:$0x3FAD] =	sst s6  }
0xf: {  	[smem:$0x3FAE] =	sst s7  }
0x10: {  	[smem:$0x3FAF] =	sst s8  }
0x11: {  	[smem:$0x3FB0] =	sst s9;
	s0 =	simm.s32 @!p0 $0x0  }
0x12: {  	s1 =	sld [smem:$0x3F96];
	s0 =	simm.s32 @p0 $0x1  }
0x13: {  	[smem:$0x3FB1] =	sst s0;
	s0 =	simm.s32 @!p1 $0x0  }
0x14: {  	s2 =	sld [smem:$0x3F95];
	s0 =	simm.s32 @p1 $0x1  }
0x15: {  	[smem:$0x3FB2] =	sst s0;
	s0 =	simm.s32 @!p2 $0x0  }
0x16: {  	s3 =	sld [smem:$0x3FDB];
	s0 =	simm.s32 @p2 $0x1  }
0x17: {  	s4 =	simm.s32 $0x1BF5;
	[smem:$0x3FB4] =	sst s0  }
0x18: {  	s0 =	sld [smem:$0x3F97];
	_ =	swait.ge [sflag:s4], $0x0  }
0x19: {  	s7 =	sld [smem:$0x3F98]  }
0x1a: {  	s8 =	sadd.s32 $0xFFFFE003, lr  }
0x1b: {  	s9 =	sadd.s32 $0xFFFFFEF7, lr;
	s5 =	simm.s32 $0xFFFFFFFF;
	p2 =	slt.u32 s8, $0xFFFFF086  }
0x1c: {  	p1 =	slt.u32 s9, $0xF7A;
	s5 =	simm.s32 @!p2 $0x0  }
0x1d: {  	s5 =	simm.s32 @p1 $0x1;
	p0 =	seq.s32 s7, s2  }
0x1e: {  	s7 =	smul.u32 @!p0 $0xF7A, s2;
	p2 =	seq.s32 @!p0 s5, $0x0  }
0x1f: {  	s9 =	smul.u32 $0xF7A, s1;
	s8 =	simm.s32 @!p0 $0x1BF5;
	p2 =	por !p2, p0  }
0x20: {  	[sflag:s8] =	ssyncset.s32 @!p0 $0xFFFFF086;
	s6 =	sadd.s32 @!p0 s3, s7;
	s7 =	simm.s32 @!p0 $0x108  }
0x21: {  	s3 =	sadd.s32 s3, s9;
	s6 =	sadd.s32 @!p0 $0x88, s6;
	s7 =	simm.s32 @p2 $0x1082  }
0x22: {  	[simem:s7], [sflag:s8] =	dma.local @!p0 [hbm:s6], $0xF7A  }
0x23: {  	s9 =	sor.u32 $0xD0000000, s2;
	s6 =	simm.s32 $0x108;
	_ =	swait.ge @!p0 [sflag:s8], $0x0  }
0x24: {  	s3 =	sadd.s32 $0x88, s3;
	s6 =	simm.s32 @!p1 $0x1082;
	[sflag:s4] =	ssyncset.s32 $0xFFFFF086  }
0x25: {  	[simem:s6], [sflag:s4] =	dma.local [hbm:s3], $0xF7A  }
0x26: {  	[smem:$0x3F98] =	sst s1;
	(tag) =	ssettag s2;
	_ =	strace s9  }
0x27: {  	s1 =	sld [smem:$0x3FA8]  }
0x28: {  	s2 =	sld [smem:$0x3FA9]  }
0x29: {  	s4 =	sld [smem:$0x3FAB]  }
0x2a: {  	p0 =	seq.s32 s5, $0x0;
	s5 =	sld [smem:$0x3FAC]  }
0x2b: {  	s6 =	sld [smem:$0x3FAD]  }
0x2c: {  	s7 =	sld [smem:$0x3FAE]  }
0x2d: {  	s3 =	simm.s32 $0x108;
	s8 =	sld [smem:$0x3FAF]  }
0x2e: {  	s3 =	simm.s32 @!p0 $0x1082;
	s9 =	sld [smem:$0x3FB0]  }
0x2f: {  	lr =	sadd.s32 s0, s3;
	s0 =	sld [smem:$0x3FA7]  }
0x30: {  	s3 =	sld [smem:$0x3FAA]  }
0x31: {  	[smem:$0x3FB3] =	sst s10  }
0x32: {  	s10 =	sld [smem:$0x3FB1];
	_ =	sdelay $0x3  }
0x33: {  	p0 =	seq.s32 s10, $0x1;
	s10 =	sld [smem:$0x3FB3];
	_ =	sdelay $0x3  }
0x34: {  	[smem:$0x3FB3] =	sst s10  }
0x35: {  	s10 =	sld [smem:$0x3FB2];
	_ =	sdelay $0x3  }
0x36: {  	p1 =	seq.s32 s10, $0x1;
	s10 =	sld [smem:$0x3FB3];
	_ =	sdelay $0x3  }
0x37: {  	[smem:$0x3FB3] =	sst s10  }
0x38: {  	s10 =	sld [smem:$0x3FB4]  }
0x39: {  	_ = 	snop;
	(pc) =	sbr.ind lr, $3  }
0x3a: {  	_ = 	snop  }
0x3b: {  	_ = 	snop  }
0x3c: {  	p2 =	seq.s32 s10, $0x1;
	s10 =	sld [smem:$0x3FB3]  }
0x3d: {  	_ =	shalt  }
0x3e: {  	_ =	shalt  }
0x3f: {  	_ =	shalt  }
0x40: {  	_ =	shalt  }
0x41: {  	_ =	shalt  }
0x42: {  	_ =	shalt  }
0x43: {  	_ =	shalt  }
0x44: {  	_ =	shalt  }
0x45: {  	_ =	shalt  }
0x46: {  	_ =	shalt  }
0x47: {  	_ =	shalt  }
0x48: {  	_ =	shalt  }
0x49: {  	_ =	shalt  }
0x4a: {  	_ =	shalt  }
0x4b: {  	_ =	shalt  }
0x4c: {  	_ =	shalt  }
0x4d: {  	_ =	shalt  }
0x4e: {  	_ =	shalt  }
0x4f: {  	_ =	shalt  }
0x50: {  	_ =	shalt  }
0x51: {  	_ =	shalt  }
0x52: {  	_ =	shalt  }
0x53: {  	_ =	shalt  }
0x54: {  	_ =	shalt  }
0x55: {  	_ =	shalt  }
0x56: {  	_ =	shalt  }
0x57: {  	_ =	shalt  }
0x58: {  	_ =	shalt  }
0x59: {  	_ =	shalt  }
0x5a: {  	_ =	shalt  }
0x5b: {  	_ =	shalt  }
0x5c: {  	_ =	shalt  }
0x5d: {  	_ =	shalt  }
0x5e: {  	_ =	shalt  }
0x5f: {  	_ =	shalt  }
0x60: {  	_ =	shalt  }
0x61: {  	_ =	shalt  }
0x62: {  	_ =	shalt  }
0x63: {  	_ =	shalt  }
0x64: {  	_ =	shalt  }
0x65: {  	_ =	shalt  }
0x66: {  	_ =	shalt  }
0x67: {  	_ =	shalt  }
0x68: {  	_ =	shalt  }
0x69: {  	_ =	shalt  }
0x6a: {  	_ =	shalt  }
0x6b: {  	_ =	shalt  }
0x6c: {  	_ =	shalt  }
0x6d: {  	_ =	shalt  }
0x6e: {  	_ =	shalt  }
0x6f: {  	_ =	shalt  }
0x70: {  	_ =	shalt  }
0x71: {  	_ =	shalt  }
0x72: {  	_ =	shalt  }
0x73: {  	_ =	shalt  }
0x74: {  	_ =	shalt  }
0x75: {  	_ =	shalt  }
0x76: {  	_ =	shalt  }
0x77: {  	_ =	shalt  }
0x78: {  	_ =	shalt  }
0x79: {  	_ =	shalt  }
0x7a: {  	_ =	shalt  }
0x7b: {  	_ =	shalt  }
0x7c: {  	_ =	shalt  }
0x7d: {  	_ =	shalt  }
0x7e: {  	_ =	shalt  }
0x7f: {  	_ =	shalt  }
0x80: {  	_ =	shalt  }
0x81: {  	_ =	shalt  }
0x82: {  	_ =	shalt  }
0x83: {  	_ =	shalt  }
0x84: {  	_ =	shalt  }
0x85: {  	_ =	shalt  }
0x86: {  	_ =	shalt  }
0x87: {  	_ =	shalt  }
.Lfunc_end0:
.L_simem_size_0:
called_computation.2_lowered:
.L_overlay_start_0:
0x88: {  	s2 =	sld [smem:$0x3FD9]  }
0x89: {  	s3 =	sld [smem:$0x3FFE];
	_ =	sdelay $0x1  }
0x8a: {  	s1 =	srdreg.scid  }
0x8b: {  	s0 =	sand.u32 $0x1, s1  }
0x8c: {  	s17 =	sshll.u32 s0, $0xA;
	s2 =	sadd.s32 s3, s2  }
0x8d: {  	s2 =	sadd.s32 s2, s17  }
0x8e: {  	[smem:$0x3FBF] =	sst s2  }
0x8f: {  	_ = 	snop  }
0x90: {  	s2 =	sld [smem:$0x3FD0];
	(tm) =	ssettm $0x1  }
0x91: {  	s18 =	sld [smem:$0x3FFB];
	_ =	sdelay $0x3  }
0x92: {  	_ =	strace s18  }
0x93: {  	s3 =	sld [smem:$0x3FFC];
	_ =	sdelay $0x3  }
0x94: {  	_ =	strace s3  }
0x95: {  	s3 =	sld [smem:$0x3FFD];
	_ =	sdelay $0x3  }
0x96: {  	_ =	strace s3  }
0x97: {  	_ =	strace $0x8FFFFFFF  }
0x98: {  	s19 =	sld [smem:$0x3FDB];
	_ =	sdelay $0x1  }
0x99: {  	s4 =	simm.s32 $_scs_section_size  }
0x9a: {  	s5 =	simm.s32 $_size__tile_overlayer_lowered;
	s6 =	simm.s32 $_tile_overlayer_lowered  }
0x9b: {  	s22 =	simm.s32 $0x1BFF;
	s21 =	sshll.u32 s6, $0x1;
	s3 =	sadd.s32 s4, s19  }
0x9c: {  	s7 =	simm.s32 $0x0;
	s20 =	sshll.u32 s5, $0x1;
	s5 =	sadd.s32 s21, s3  }
0x9d: {  	[timem:s7], [sflag:s22] =	dma.local [hbm:s5], s20  }
0x9e: {  	_ =	swait.ge [sflag:s22], s20  }
0x9f: {  	s4 =	ssub.s32 $0x0, s20;
	[sflag:s22] =	ssyncset.done $0x0  }
0xa0: {  	[sflag:s22] =	ssyncadd.s32 s4;
	_ =	sdelay $0x1  }
0xa1: {  	s23 =	simm.s32 $0x1B8B  }
0xa2: {  	_ =	swait.ge [sflag:s23], $0x1  }
0xa3: {  	[sflag:s23] =	ssyncset.done $0x0  }
0xa4: {  	s25 =	simm.s32 $0x1B8E;
	s24 =	sld [smem:$0x3FFE];
	[sflag:s23] =	ssyncadd.s32 $0xFFFFFFFF  }
0xa5: {  	s26 =	simm.s32 $execute0_lowered;
	[smem:$0x3FD2] =	sst s25  }
0xa6: {  	s5 =	sshll.u32 s26, $0x1;
	_ =	strace $0x8000004C;
	[dreg:$0x1] =	wrdreg $0xFFFFFFFF  }
0xa7: {  	s28 =	simm.s32 $_size_execute0_lowered;
	s3 =	sadd.s32 s3, s5;
	[dreg:$0x0] =	wrdreg $0x0  }
0xa8: {  	s5 =	sshll.u32 s28, $0x1;
	[dreg:$0x2] =	wrdreg s3  }
0xa9: {  	[dreg:$0x3] =	wrdreg s5  }
0xaa: {  	[dreg:$0x4] =	wrdreg $0xC0  }
0xab: {  	_ =	task [dreg:s7], $0x5FFFF  }
0xac: {  	[dreg:$0x1] =	wrdreg $0xFFFFFFFF  }
0xad: {  	[dreg:$0x0] =	wrdreg $0x60  }
0xae: {  	[dreg:$0x2] =	wrdreg s24  }
0xaf: {  	[dreg:$0x3] =	wrdreg s2  }
0xb0: {  	[dreg:$0x4] =	wrdreg $0xFE000  }
0xb1: {  	[dreg:$0x5] =	wrdreg $0x9  }
0xb2: {  	_ =	task.clear_ibuf [dreg:s7], $0x6FFFF;
	_ =	strace $0x9000004C  }
0xb3: {  	s29 =	simm.s32 $0x9;
	_ =	strace $0x8000004E  }
0xb4: {  	_ =	swait.ge [sflag:s29], $0x1  }
0xb5: {  	[sflag:s29] =	ssyncadd.s32 $0xFFFFFFFF  }
0xb6: {  	_ =	strace $0x9000004E  }
0xb7: {  	_ =	sfence  }
0xb8: {  	s30 =	sld [smem:$0x0];
	_ =	sdelay $0x2  }
0xb9: {  	s31 =	sshll.u32 s1, $0xD;
	s1 =	sshrl.u32 s1, $0x2  }
0xba: {  	s3 =	sand.u32 $0x4000, s31;
	s1 =	sadd.s32 s1, s30  }
0xbb: {  	s0 =	sor.u32 s3, s0;
	s1 =	sshll.u32 s1, $0x11  }
0xbc: {  	s0 =	sor.u32 s1, s0  }
0xbd: {  	s0 =	sadd.s32 $0x8F2B, s0  }
0xbe: {  	[sflag:s0] =	ssyncadd.remote.s32 $0x1  }
0xbf: {  	_ =	sfence.sel $0xFFFF  }
0xc0: {  	[dreg:$0x0] =	wrdreg $0xFFFFFFFF;
	(pc) =	sbr.abs _section_cstart, $3  }
0xc1: {  	[dreg:$0x1] =	wrdreg $0xFFFFFFFF  }
0xc2: {  	_ =	task.clear_ibuf [dreg:s7], $0x2FFFF;
	_ =	strace $0x9FFFFFFF  }
0xc3: {  	(tm) =	ssettm $0x7FFFFFFF  }
tec
execute0_lowered:
.L_overlay_start_1:
0x0: {  	(tag) =	ssettag $0x1  }
0x1: {  	s0 =	rddreg [dreg:$0x0]  }
0x2: {  	s16 =	rddreg [dreg:$0x1]  }
0x3: {  	s1 =	rddreg [dreg:$0x2];
	s3 =	simm.s32 $0x0;
	s2 =	srdreg.scid  }
0x4: {  	s25 =	stileid.u32;
	s19 =	simm.s32 $0xE000;
	s20 =	simm.s32 $0x80  }
0x5: {  	s21 =	simm.s32 $0xA000;
	s22 =	simm.s32 $0xC000;
	s23 =	simm.s32 $0x1  }
0x6: {  	s24 =	simm.s32 $0x2;
	s28 =	simm.s32 $0x9F80;
	s29 =	simm.s32 $0x0  }
0x7: {  	[smem:$0x7FF] =	sst s3;
	s5 =	sand.u32 $0x1, s2;
	s7 =	smul.u32 $0x1E00, s25  }
0x8: {  	s4 =	sadd.s32 $0x10BC00, s0;
	s15 =	sadd.s32 $0x17400, s0;
	s8 =	smul.u32 $0x3C000, s25  }
0x9: {  	s14 =	sadd.s32 $0xD400, s0;
	s17 =	sadd.s32 $0x2400, s0;
	s18 =	smul.u32 $0xA00, s25  }
0xa: {  	s25 =	simm.s32 $0x4F80;
	s6 =	smul.u32 $0x1E000, s5;
	s26 =	ssub.s32 $0x2, s5  }
0xb: {  	_ =	strace $0x8000004D;
	p0 =	seq.s32 s5, $0x1;
	s30 =	sshrl.u32 s26, $0x1  }
0xc: {  	s31 =	sshrl.u32 s8, $0x2;
	s15 =	smov.u32 @p0 s14;
	s16 =	smov.u32 @p0 s17  }
0xd: {  	s17 =	simm.s32 $0x3;
	s6 =	sadd.s32 s7, s6;
	s7 =	ssub.s32 s26, s30  }
0xe: {  	s15 =	sadd.s32 s15, s18;
	s16 =	sadd.s32 s16, s18;
	s18 =	simm.s32 $0x5000  }
0xf: {  	s26 =	simm.s32 $0x9F00;
	s0 =	sadd.s32 s6, s0;
	s6 =	sadd.s32 s31, s1  }
0x10: {  	s7 =	smax.u32 s7, $0x1;
	s5 =	sadd.s32 $0x147C00, s0;
	s8 =	sadd.s32 $0x1E00, s6  }
0x11: {  	s9 =	sadd.s32 $0x3C00, s6;
	s10 =	sadd.s32 $0x5A00, s6;
	s11 =	sadd.s32 $0x7800, s6  }
0x12: {  	v0 =	vimm.f32 $0.0e+00;
	s12 =	sadd.s32 $0x9600, s6;
	s13 =	sadd.s32 $0xB400, s6;
	s14 =	sadd.s32 $0xD200, s6  }
.LBB2_1:
0x13: {  	s0 =	sand.u32 $0x7F00, s3  }
0x14: {  	s31 =	sand.u32 $0x30, s3;
	s0 =	sshrl.u32 s0, $0x2  }
0x15: {  	s30 =	simm.s32 $0x40;
	s0 =	sor.u32 s31, s0;
	s31 =	simm.s32 $0x0  }
.LBB2_2:
0x16: {  	p0 =	sne.s32 s30, $0x77C0  }
0x17: {  	[tilespmem:s0+$0xE000] =	vst v0;
	s31 =	sadd.s32 $0x10, s31;
	s0 =	smov.u32 s30;
	s30 =	sadd.s32 $0x40, s30  }
.Ltmp0:
0x18: {  	(pc) =	sbr.rel @p0 .LBB2_2-.Ltmp0, $4  }
0x19: {  	_ = 	snop  }
0x1a: {  	s0 =	sand.u32 $0x7F00, s0  }
0x1b: {  	s2 =	sand.u32 $0x30, s31;
	s0 =	sshrl.u32 s0, $0x2  }
0x1c: {  	s0 =	sor.u32 s2, s0  }
0x1d: {  	[tilespmem:s0+$0xE000] =	vst v0;
	s2 =	simm.s32 $0x0  }
0x1e: {  	[tilespmem:s2], [sflag:$0x3] =	stream.linear.gather [hbm4b:s15+s2], $0x5000, $0x38;
	[tilespmem:$0x1EE00] =	vst v63  }
0x1f: {  	_ =	swait.ge [sflag:s17], $0x5000  }
0x20: {  	[sflag:s17] =	ssyncset.done $0x0  }
0x21: {  	[sflag:s17] =	ssyncadd.s32 $0xFFFFB000  }
0x22: {  	[tilespmem:s18], [sflag:$0x3] =	stream.linear.gather [hbm4b:s16+s2], $0x5000, $0x38;
	[tilespmem:$0x1EE00] =	vst v63  }
0x23: {  	_ =	swait.ge [sflag:s17], $0x5000  }
0x24: {  	[sflag:s17] =	ssyncset.done $0x0  }
0x25: {  	[sflag:s17] =	ssyncadd.s32 $0xFFFFB000  }
0x26: {  	[spmem:s6] =	stream.linear.scatter [tilespmem:s19], [sflag:$0x3], $0x1E00, $0x38;
	[tilespmem:$0x1EE00] =	vst v63  }
0x27: {  	_ =	swait.ge [sflag:s17], $0x1E00  }
0x28: {  	[sflag:s17] =	ssyncset.done $0x0  }
0x29: {  	[sflag:s17] =	ssyncadd.s32 $0xFFFFE200  }
0x2a: {  	[spmem:s8] =	stream.linear.scatter [tilespmem:s19], [sflag:$0x3], $0x1E00, $0x38;
	[tilespmem:$0x1EE00] =	vst v63  }
0x2b: {  	_ =	swait.ge [sflag:s17], $0x1E00  }
0x2c: {  	[sflag:s17] =	ssyncset.done $0x0  }
0x2d: {  	[sflag:s17] =	ssyncadd.s32 $0xFFFFE200  }
0x2e: {  	[spmem:s9] =	stream.linear.scatter [tilespmem:s19], [sflag:$0x3], $0x1E00, $0x38;
	[tilespmem:$0x1EE00] =	vst v63  }
0x2f: {  	_ =	swait.ge [sflag:s17], $0x1E00  }
0x30: {  	[sflag:s17] =	ssyncset.done $0x0  }
0x31: {  	[sflag:s17] =	ssyncadd.s32 $0xFFFFE200  }
0x32: {  	[spmem:s10] =	stream.linear.scatter [tilespmem:s19], [sflag:$0x3], $0x1E00, $0x38;
	[tilespmem:$0x1EE00] =	vst v63  }
0x33: {  	_ =	swait.ge [sflag:s17], $0x1E00  }
0x34: {  	[sflag:s17] =	ssyncset.done $0x0  }
0x35: {  	[sflag:s17] =	ssyncadd.s32 $0xFFFFE200  }
0x36: {  	[spmem:s11] =	stream.linear.scatter [tilespmem:s19], [sflag:$0x3], $0x1E00, $0x38;
	[tilespmem:$0x1EE00] =	vst v63  }
0x37: {  	_ =	swait.ge [sflag:s17], $0x1E00  }
0x38: {  	[sflag:s17] =	ssyncset.done $0x0  }
0x39: {  	[sflag:s17] =	ssyncadd.s32 $0xFFFFE200  }
0x3a: {  	[spmem:s12] =	stream.linear.scatter [tilespmem:s19], [sflag:$0x3], $0x1E00, $0x38;
	[tilespmem:$0x1EE00] =	vst v63  }
0x3b: {  	_ =	swait.ge [sflag:s17], $0x1E00  }
0x3c: {  	[sflag:s17] =	ssyncset.done $0x0  }
0x3d: {  	[sflag:s17] =	ssyncadd.s32 $0xFFFFE200  }
0x3e: {  	[spmem:s13] =	stream.linear.scatter [tilespmem:s19], [sflag:$0x3], $0x1E00, $0x38;
	[tilespmem:$0x1EE00] =	vst v63  }
0x3f: {  	_ =	swait.ge [sflag:s17], $0x1E00  }
0x40: {  	[sflag:s17] =	ssyncset.done $0x0  }
0x41: {  	[sflag:s17] =	ssyncadd.s32 $0xFFFFE200  }
0x42: {  	[spmem:s14] =	stream.linear.scatter [tilespmem:s19], [sflag:$0x3], $0x1E00, $0x38;
	[tilespmem:$0x1EE00] =	vst v63  }
0x43: {  	_ =	swait.ge [sflag:s17], $0x1E00  }
0x44: {  	[sflag:s17] =	ssyncset.done $0x0  }
0x45: {  	[sflag:s17] =	ssyncadd.s32 $0xFFFFE200  }
0x46: {  	[bflag:$0x0] =	sbarrier.arrive $0xFFFF  }
0x47: {  	(ifvalue) =	ssetifvalue $0x7FFFFFFF  }
0x48: {  	(ifvalue) =	ssetifvalue $0x7FFFFFFF  }
0x49: {  	[tilespmem:s21], [sflag:$0x1] =	stream.indirect.gather [hbm4b:s4+s20], $0x40, s2, s20, $0x40b8;
	[tilespmem:$0x1EE00] =	vst v63  }
0x4a: {  	(ifvalue) =	ssetifvalue $0x7FFFFFFF  }
0x4b: {  	s2 =	simm.s32 $0x80;
	(ifvalue) =	ssetifvalue $0x7FFFFFFF  }
0x4c: {  	[tilespmem:s22], [sflag:$0x2] =	stream.indirect.gather [hbm4b:s4+s20], $0x40, s2, s20, $0x40b8;
	[tilespmem:$0x1EE00] =	vst v63  }
0x4d: {  	_ =	swait.ge [sflag:s23], $0x2000  }
0x4e: {  	[sflag:s23] =	ssyncset.done $0x0  }
0x4f: {  	s2 =	simm.s32 $0x5000;
	[sflag:s23] =	ssyncadd.s32 $0xFFFFE000;
	(ifvalue) =	ssetifvalue $0x7FFFFFFF  }
0x50: {  	[spmem:s1] =	stream.indirect.scatter.add.f32 [tilespmem:s21], [sflag:$0x3], $0x40, s2, s20, $0x40b8;
	[tilespmem:$0x1EE00] =	vst v63  }
0x51: {  	_ =	swait.ge [sflag:s17], $0x2000  }
0x52: {  	[sflag:s17] =	ssyncset.done $0x0  }
0x53: {  	[sflag:s17] =	ssyncadd.s32 $0xFFFFE000;
	(ifvalue) =	ssetifvalue $0x7FFFFFFF  }
0x54: {  	s2 =	simm.s32 $0x100;
	(ifvalue) =	ssetifvalue $0x7FFFFFFF  }
0x55: {  	[tilespmem:s21], [sflag:$0x1] =	stream.indirect.gather [hbm4b:s4+s20], $0x40, s2, s20, $0x40b8;
	[tilespmem:$0x1EE00] =	vst v63  }
0x56: {  	_ =	swait.ge [sflag:s24], $0x2000  }
0x57: {  	[sflag:s24] =	ssyncset.done $0x0  }
0x58: {  	s2 =	simm.s32 $0x5080;
	[sflag:s24] =	ssyncadd.s32 $0xFFFFE000;
	(ifvalue) =	ssetifvalue $0x7FFFFFFF  }
0x59: {  	[spmem:s1] =	stream.indirect.scatter.add.f32 [tilespmem:s22], [sflag:$0x3], $0x40, s2, s20, $0x40b8;
	[tilespmem:$0x1EE00] =	vst v63  }
0x5a: {  	s31 =	simm.s32 $0x800;
	_ =	swait.ge [sflag:s17], $0x2000  }
0x5b: {  	s30 =	simm.s32 $0x100;
	(ifvalue) =	ssetifvalue $0x7FFFFFFF;
	[sflag:s17] =	ssyncset.done $0x0  }
.LBB2_4:
0x5c: {  	s0 =	sadd.s32 $0x80, s30  }
0x5d: {  	(ifvalue) =	ssetifvalue $0x7FFFFFFF;
	[sflag:s17] =	ssyncadd.s32 $0xFFFFE000;
	s2 =	smov.u32 s31  }
0x5e: {  	[tilespmem:s22], [sflag:$0x2] =	stream.indirect.gather [hbm4b:s4+s20], $0x40, s0, s20, $0x40b8;
	[tilespmem:$0x1EE00] =	vst v63  }
0x5f: {  	p0 =	sne.s32 s31, $0x13800;
	s31 =	sadd.s32 $0x400, s31;
	_ =	swait.ge [sflag:s23], $0x2000  }
0x60: {  	[sflag:s23] =	ssyncset.done $0x0  }
0x61: {  	[sflag:s23] =	ssyncadd.s32 $0xFFFFE000  }
0x62: {  	s0 =	sadd.s32 $0x5000, s30;
	(ifvalue) =	ssetifvalue $0x7FFFFFFF  }
0x63: {  	[spmem:s1] =	stream.indirect.scatter.add.f32 [tilespmem:s21], [sflag:$0x3], $0x40, s0, s20, $0x40b8;
	[tilespmem:$0x1EE00] =	vst v63  }
0x64: {  	_ =	swait.ge [sflag:s17], $0x2000  }
0x65: {  	[sflag:s17] =	ssyncset.done $0x0  }
0x66: {  	[sflag:s17] =	ssyncadd.s32 $0xFFFFE000  }
0x67: {  	(ifvalue) =	ssetifvalue $0x7FFFFFFF  }
0x68: {  	s0 =	sadd.s32 $0x100, s30;
	(ifvalue) =	ssetifvalue $0x7FFFFFFF  }
0x69: {  	[tilespmem:s21], [sflag:$0x1] =	stream.indirect.gather [hbm4b:s4+s20], $0x40, s0, s20, $0x40b8;
	[tilespmem:$0x1EE00] =	vst v63  }
0x6a: {  	_ =	swait.ge [sflag:s24], $0x2000  }
0x6b: {  	[sflag:s24] =	ssyncset.done $0x0  }
.Ltmp1:
0x6c: {  	[sflag:s24] =	ssyncadd.s32 $0xFFFFE000;
	(pc) =	sbr.rel @p0 .LBB2_4-.Ltmp1, $4  }
0x6d: {  	s0 =	sadd.s32 $0x5080, s30;
	(ifvalue) =	ssetifvalue $0x7FFFFFFF  }
0x6e: {  	[spmem:s1] =	stream.indirect.scatter.add.f32 [tilespmem:s22], [sflag:$0x3], $0x40, s0, s20, $0x40b8;
	[tilespmem:$0x1EE00] =	vst v63  }
0x6f: {  	_ =	swait.ge [sflag:s17], $0x2000  }
0x70: {  	s30 =	sshra.s32 s2, $0x2;
	(ifvalue) =	ssetifvalue $0x7FFFFFFF;
	[sflag:s17] =	ssyncset.done $0x0  }
0x71: {  	(ifvalue) =	ssetifvalue $0x7FFFFFFF;
	s0 =	sadd.s32 $0x80, s30;
	[sflag:s17] =	ssyncadd.s32 $0xFFFFE000  }
0x72: {  	[tilespmem:s22], [sflag:$0x2] =	stream.indirect.gather [hbm4b:s4+s20], $0x40, s0, s20, $0x40b8;
	[tilespmem:$0x1EE00] =	vst v63  }
0x73: {  	_ =	swait.ge [sflag:s23], $0x2000  }
0x74: {  	[sflag:s23] =	ssyncset.done $0x0  }
0x75: {  	s31 =	sadd.s32 $0x5000, s30;
	[sflag:s23] =	ssyncadd.s32 $0xFFFFE000;
	(ifvalue) =	ssetifvalue $0x7FFFFFFF  }
0x76: {  	[spmem:s1] =	stream.indirect.scatter.add.f32 [tilespmem:s21], [sflag:$0x3], $0x40, s31, s20, $0x40b8;
	[tilespmem:$0x1EE00] =	vst v63  }
0x77: {  	_ =	swait.ge [sflag:s17], $0x2000  }
0x78: {  	[sflag:s17] =	ssyncset.done $0x0  }
0x79: {  	[sflag:s17] =	ssyncadd.s32 $0xFFFFE000;
	(ifvalue) =	ssetifvalue $0x7FFFFFFF  }
0x7a: {  	s2 =	sadd.s32 $0x100, s30;
	(ifvalue) =	ssetifvalue $0x7FFFFFFF  }
0x7b: {  	[tilespmem:s21], [sflag:$0x1] =	stream.indirect.gather [hbm4b:s4+s20], $0x40, s2, s20, $0x40b8;
	[tilespmem:$0x1EE00] =	vst v63  }
0x7c: {  	_ =	swait.ge [sflag:s24], $0x2000  }
0x7d: {  	[sflag:s24] =	ssyncset.done $0x0  }
0x7e: {  	s30 =	sadd.s32 $0x5080, s30;
	[sflag:s24] =	ssyncadd.s32 $0xFFFFE000;
	(ifvalue) =	ssetifvalue $0x7FFFFFFF  }
0x7f: {  	[spmem:s1] =	stream.indirect.scatter.add.f32 [tilespmem:s22], [sflag:$0x3], $0x40, s30, s20, $0x40b8;
	[tilespmem:$0x1EE00] =	vst v63  }
0x80: {  	_ =	swait.ge [sflag:s17], $0x2000  }
0x81: {  	[sflag:s17] =	ssyncset.done $0x0  }
0x82: {  	[sflag:s17] =	ssyncadd.s32 $0xFFFFE000;
	(ifvalue) =	ssetifvalue $0x7FFFFFFF  }
0x83: {  	(ifvalue) =	ssetifvalue $0x7FFFFFFF  }
0x84: {  	[tilespmem:s22], [sflag:$0x2] =	stream.indirect.gather [hbm4b:s4+s20], $0x40, s25, s20, $0x40b8;
	[tilespmem:$0x1EE00] =	vst v63  }
0x85: {  	_ =	swait.ge [sflag:s23], $0x2000  }
0x86: {  	[sflag:s23] =	ssyncset.done $0x0  }
0x87: {  	[sflag:s23] =	ssyncadd.s32 $0xFFFFE000;
	(ifvalue) =	ssetifvalue $0x7FFFFFFF  }
0x88: {  	[spmem:s1] =	stream.indirect.scatter.add.f32 [tilespmem:s21], [sflag:$0x3], $0x40, s26, s20, $0x40b8;
	[tilespmem:$0x1EE00] =	vst v63  }
0x89: {  	_ =	swait.ge [sflag:s17], $0x2000  }
0x8a: {  	[sflag:s17] =	ssyncset.done $0x0  }
0x8b: {  	[sflag:s17] =	ssyncadd.s32 $0xFFFFE000;
	(ifvalue) =	ssetifvalue $0x7FFFFFFF  }
0x8c: {  	(ifvalue) =	ssetifvalue $0x7FFFFFFF  }
0x8d: {  	[tilespmem:s21], [sflag:$0x1] =	stream.indirect.gather [hbm4b:s4+s20], $0x40, s25, s20, $0x40b8;
	[tilespmem:$0x1EE00] =	vst v63  }
0x8e: {  	_ =	swait.ge [sflag:s24], $0x2000  }
0x8f: {  	[sflag:s24] =	ssyncset.done $0x0  }
0x90: {  	[sflag:s24] =	ssyncadd.s32 $0xFFFFE000;
	(ifvalue) =	ssetifvalue $0x7FFFFFFF  }
0x91: {  	[spmem:s1] =	stream.indirect.scatter.add.f32 [tilespmem:s22], [sflag:$0x3], $0x40, s28, s20, $0x40b8;
	[tilespmem:$0x1EE00] =	vst v63  }
0x92: {  	_ =	swait.ge [sflag:s17], $0x2000  }
0x93: {  	[sflag:s17] =	ssyncset.done $0x0  }
0x94: {  	[sflag:s17] =	ssyncadd.s32 $0xFFFFE000  }
0x95: {  	s31 =	stileid.u32;
	_ =	swait.ge [sflag:s23], $0x2000  }
0x96: {  	s29 =	sadd.s32 $0x1, s29;
	s0 =	sshll.u32 s31, $0x6;
	[sflag:s23] =	ssyncset.done $0x0  }
0x97: {  	p0 =	sne.s32 s29, s7;
	s0 =	sor.u32 $0x1C03, s0;
	[sflag:s23] =	ssyncadd.s32 $0xFFFFE000  }
.Ltmp2:
0x98: {  	s2 =	sshrl.u32 s6, $0x3;
	[bflag:$0x0] =	sbarrier.arrive $0xFFFF;
	(pc) =	sbr.rel @p0 .LBB2_1-.Ltmp2, $4  }
0x99: {  	[hbm:s5], [sflag:s0] =	dma.local [spmem:s2], $0x1E00  }
0x9a: {  	_ =	swait.ge [sflag:s17], $0x1E00  }
0x9b: {  	[sflag:s17] =	ssyncset.done $0x0  }
0x9c: {  	[sflag:s17] =	ssyncadd.s32 $0xFFFFE200  }
0x9d: {  	_ =	sfence.sel $0x180000  }
0x9e: {  	[bflag:$0x0] =	sbarrier.arrive $0xFFFF  }
0x9f: {  	_ =	strace $0x9000004D  }
0xa0: {  	s0 =	stileid.u32;
	[bflag:$0x2] =	sbarrier.arrive $0xFFFF  }
0xa1: {  	p0 =	sne.s32 s0, $0x0;
	s0 =	rddreg [dreg:$0x3]  }
0xa2: {  	s0 =	sadd.s32 @!p0 $0x100000, s0  }
0xa3: {  	[sflag:s0] =	ssyncadd.tile.s32 @!p0 $0x1;
	_ =	shalt  }
.Lfunc_end2:
_tile_overlayer_lowered:
.L_overlay_start_2:
0xa4: {  	(tag) =	ssettag $0x2  }
0xa5: {  	s0 =	rddreg [dreg:$0x0];
	s2 =	stileid.u32  }
0xa6: {  	s1 =	rddreg [dreg:$0x1];
	p0 =	sne.s32 s2, $0x0  }
0xa7: {  	s3 =	rddreg [dreg:$0x2];
	[bflag:$0x3] =	sbarrier.arrive $0xFFFF;
	s2 =	simm.s32 @!p0 $0x1C03  }
0xa8: {  	[timem:s3], [sflag:s2] =	dma.local @!p0 [hbm:s0], s1  }
0xa9: {  	s0 =	simm.s32 @!p0 $0x3  }
0xaa: {  	_ =	swait.ge @!p0 [sflag:s0], s1  }
0xab: {  	s1 =	ssub.s32 @!p0 $0x0, s1;
	[sflag:s0] =	ssyncset.done @!p0 $0x0  }
0xac: {  	[sflag:s0] =	ssyncadd.s32 @!p0 s1  }
0xad: {  	[bflag:$0x3] =	sbarrier.arrive $0xFFFF  }
0xae: {  	_ =	shalt  }

</sc_bundles>
